<compile_context>
chip_gen: v7x
topology: tpu7x:2x2x1
jax: 0.10.2.dev20260603
libtpu: 0.0.44.dev20260713+nightly
codegen_flags: <defaults>
</compile_context>

<pallas_src>
import functools
import jax
import jax.numpy as jnp
from jax import lax
from jax.experimental import pallas as pl
from jax.experimental.pallas import tpu as pltpu
from jax.experimental.pallas import tpu_sc as plsc


VOCAB_PAD = 1024
WORDS = VOCAB_PAD // 4
LANES = 16
NC, NS = 2, 16
NW = NC * NS
GROUP = 16


def _sc_hist_body(idxt_hbm, out_hbm, idx_v, cnt_v, sem, *, rows_per_w, hist):
    wid = lax.axis_index("s") * NC + lax.axis_index("c")
    base = wid * rows_per_w

    stage = pltpu.async_copy(idxt_hbm.at[:, pl.ds(base, rows_per_w)],
                             idx_v, sem)

    zero16 = jnp.zeros((LANES,), jnp.int32)
    groups_per_row = WORDS // LANES

    @plsc.parallel_loop(0, rows_per_w, unroll=2)
    def _(r):
        for j in range(groups_per_row):
            cnt_v[r, pl.ds(j * LANES, LANES)] = zero16

    stage.wait()

    one = jnp.full((LANES,), 1, jnp.int32)
    lane = lax.iota(jnp.int32, LANES)
    ngroups = rows_per_w // GROUP
    rvecs = [lane + g * GROUP for g in range(ngroups)]
    half_rows = rows_per_w // 2
    halves = (range(ngroups // 2), range(ngroups // 2, ngroups))

    @plsc.parallel_loop(0, hist, unroll=2)
    def _(l):
        for g in halves[0]:
            vidx = idx_v[l, pl.ds(g * GROUP, GROUP)]
            val = one << ((vidx >> 8) << 3)
            plsc.addupdate_scatter(cnt_v, [rvecs[g], vidx & 255], val)

    wb = pltpu.async_copy(
        cnt_v.at[pl.ds(0, half_rows), :],
        out_hbm.at[pl.ds(base, half_rows), :], sem)

    @plsc.parallel_loop(0, hist, unroll=2)
    def _(l):
        for g in halves[1]:
            vidx = idx_v[l, pl.ds(g * GROUP, GROUP)]
            val = one << ((vidx >> 8) << 3)
            plsc.addupdate_scatter(cnt_v, [rvecs[g], vidx & 255], val)

    wb.wait()
    pltpu.sync_copy(cnt_v.at[pl.ds(half_rows, half_rows), :],
                    out_hbm.at[pl.ds(base + half_rows, half_rows), :])


def _sc_hist(inputs_t, *, b, hist):
    rows_per_w = b // NW
    mesh = plsc.VectorSubcoreMesh(core_axis_name="c", subcore_axis_name="s")
    body = functools.partial(_sc_hist_body, rows_per_w=rows_per_w, hist=hist)
    f = pl.kernel(
        body,
        out_type=jax.ShapeDtypeStruct((b, WORDS), jnp.int32),
        mesh=mesh,
        scratch_types=[
            pltpu.VMEM((hist, rows_per_w), jnp.int32),
            pltpu.VMEM((rows_per_w, WORDS), jnp.int32),
            pltpu.SemaphoreType.DMA,
        ],
        compiler_params=pltpu.CompilerParams(
            needs_layout_passes=False, use_tc_tiling_on_sc=True),
    )
    return f(inputs_t)


def _final_kernel(packed_ref, emb_ref, w_ref, b_ref, out_ref, m_ref,
                  *, inv_l, vocab):
    @pl.when(pl.program_id(0) == 0)
    def _():
        m_ref[...] = jnp.zeros_like(m_ref)
        m_ref[:vocab, :] = (lax.dot_general(
            emb_ref[...], w_ref[...],
            dimension_numbers=(((1,), (1,)), ((), ())),
            preferred_element_type=jnp.float32,
        ) + b_ref[...]) * inv_l

    packed = packed_ref[...]
    tb = packed.shape[0]
    zt = jnp.zeros((w_ref.shape[0], tb), jnp.float32)
    for p in range(4):
        plane = ((packed >> (8 * p)) & 255).astype(jnp.float32)
        zt = zt + lax.dot_general(
            m_ref[pl.ds(256 * p, 256), :], plane,
            dimension_numbers=(((0,), (1,)), ((), ())),
            preferred_element_type=jnp.float32,
        )
    zmax = jnp.max(zt, axis=0, keepdims=True)
    s = zt - zmax
    lse = jnp.log(jnp.sum(jnp.exp(s), axis=0, keepdims=True))
    out_ref[...] = s - lse


def kernel(inputs, emb, W, b):
    B, L = inputs.shape
    V, D = emb.shape
    C = W.shape[0]

    packed = _sc_hist(inputs.T, b=B, hist=L)

    TB = 2048
    b2 = b.reshape(1, C)
    out_t = pl.pallas_call(
        functools.partial(_final_kernel, inv_l=1.0 / L, vocab=V),
        grid=(B // TB,),
        in_specs=[
            pl.BlockSpec((TB, WORDS), lambda i: (i, 0)),
            pl.BlockSpec((V, D), lambda i: (0, 0)),
            pl.BlockSpec((C, D), lambda i: (0, 0)),
            pl.BlockSpec((1, C), lambda i: (0, 0)),
        ],
        out_specs=pl.BlockSpec((C, TB), lambda i: (0, i)),
        out_shape=jax.ShapeDtypeStruct((C, B), jnp.float32),
        scratch_shapes=[pltpu.VMEM((VOCAB_PAD, C), jnp.float32)],
    )(packed, emb, W, b2)

    return out_t.T

# --- scband reference (transcript-rebuilt; emitter-appended) ---
"""Pipeline reference for scband-artist-net-12953621365361 (READ-ONLY COPY).

The authoritative reference and input builder live on the scoring server;
editing this copy changes nothing except your own understanding.
"""

import jax, jax.numpy as jnp
import numpy as np

VOCAB = 1000
D_EMB = 128
N_CLASSES = 100
BATCH = 4096
HIST = 200


def setup_inputs(seed: int = 0) -> dict:
    key = jax.random.key(seed)
    k1, k2, k3 = jax.random.split(key, 3)
    inputs = jax.random.randint(k1, (BATCH, HIST), 0, VOCAB, dtype=jnp.int32)
    emb = jax.random.normal(k2, (VOCAB, D_EMB), dtype=jnp.float32)
    W = jax.random.normal(k3, (N_CLASSES, D_EMB), dtype=jnp.float32) * (1.0 / np.sqrt(D_EMB))
    b = jnp.zeros((N_CLASSES,), dtype=jnp.float32)
    return {"inputs": inputs, "emb": emb, "W": W, "b": b}


def reference(inputs, emb, W, b):
    # nn.Embedding lookup: gather rows of the table
    batch_embs = jnp.take(emb, inputs, axis=0)  # [B, L, D]
    # torch.mean(batch_embs, 1): mean-pool over sequence dim
    avgs = jnp.mean(batch_embs, axis=1)  # [B, D]
    # nn.Linear(d_emb, num_classes)
    z = avgs @ W.T + b  # [B, C]
    # nn.LogSoftmax() on 2D input defaults to dim=1
    return jax.nn.log_softmax(z, axis=-1)

if __name__ == "__main__":
    import jax
    _d = setup_inputs()
    print(jax.jit(kernel)(*tuple(_d.values())))

</pallas_src>

<mosaic_0001>
#map = affine_map<(d0, d1) -> (0, 0)>
module attributes {stable_mosaic.version = 14 : i64} {
  func.func @_sc_hist_body(%arg0: i32, %arg1: i32, %arg2: memref<200x4096xi32, #tpu.memory_space<hbm>>, %arg3: memref<4096x256xi32, #tpu.memory_space<hbm>>, %arg4: memref<200x128xi32, #tpu.memory_space<vmem>>, %arg5: memref<128x256xi32, #tpu.memory_space<vmem>>, %arg6: memref<!tpu.dma_semaphore, #tpu.memory_space<semaphore_mem>>) attributes {dimension_semantics = [#tpu.dimension_semantics<core_parallel>, #tpu.dimension_semantics<subcore_parallel>], iteration_bounds = array<i64: 2, 16>, scalar_prefetch = 0 : i64, scratch_operands = 3 : i64, tpu.core_type = #tpu.core_type<sc_vector_subcore>, window_params = [{transform_indices = #map}, {transform_indices = #map}]} {
    %mul3A = arith.constant 2 : i32
    %mul3A_0 = arith.muli %arg1, %mul3A : i32
    %add3A = arith.addi %mul3A_0, %arg0 : i32
    %mul3A_1 = arith.constant 128 : i32
    %mul3A_2 = arith.muli %add3A, %mul3A_1 : i32
    %dma_start3A = arith.constant 0 : i32
    %dma_start3A_3 = tpu.memref_slice %arg2[%dma_start3A, %mul3A_2] : memref<200x4096xi32, #tpu.memory_space<hbm>> -> memref<200x128xi32, #tpu.memory_space<hbm>>
    %dma_start3A_4 = arith.constant 0 : i32
    %dma_start3A_5 = tpu.memref_slice %arg2[%dma_start3A_4, %mul3A_2] : memref<200x4096xi32, #tpu.memory_space<hbm>> -> memref<200x128xi32, #tpu.memory_space<hbm>>
    tpu.enqueue_dma source(%dma_start3A_5 : memref<200x128xi32, #tpu.memory_space<hbm>>) target(%arg4 : memref<200x128xi32, #tpu.memory_space<vmem>>) target_semaphore(%arg6 : memref<!tpu.dma_semaphore, #tpu.memory_space<semaphore_mem>>)
    %broadcast_in_dim3A = arith.constant 0 : i32
    %broadcast_in_dim3A_6 = vector.broadcast %broadcast_in_dim3A : i32 to vector<16xi32>
    %parallel_loop3A = arith.constant 0 : i32
    %parallel_loop3A_7 = arith.constant 128 : i32
    %parallel_loop3A_8 = arith.constant 1 : i32
    scf.for %parallel_loop3A_66 = %parallel_loop3A to %parallel_loop3A_7 step %parallel_loop3A_8  : i32 {
      %parallel_loop3A_67 = arith.index_cast %parallel_loop3A_66 : i32 to index
      %parallel_loop3A_68 = arith.constant 0 : index
      %parallel_loop3A_69 = tpu.vector_load %arg5[%parallel_loop3A_67, %parallel_loop3A_68] {strides = array<i32>} : memref<128x256xi32, #tpu.memory_space<vmem>>, vector<16xi32>,
      tpu.vector_store %arg5[%parallel_loop3A_67, %parallel_loop3A_68], %broadcast_in_dim3A_6 {strides = array<i32>} : memref<128x256xi32, #tpu.memory_space<vmem>>, vector<16xi32>,
      %parallel_loop3A_70 = arith.index_cast %parallel_loop3A_66 : i32 to index
      %parallel_loop3A_71 = arith.constant 16 : index
      %parallel_loop3A_72 = tpu.vector_load %arg5[%parallel_loop3A_70, %parallel_loop3A_71] {strides = array<i32>} : memref<128x256xi32, #tpu.memory_space<vmem>>, vector<16xi32>,
      tpu.vector_store %arg5[%parallel_loop3A_70, %parallel_loop3A_71], %broadcast_in_dim3A_6 {strides = array<i32>} : memref<128x256xi32, #tpu.memory_space<vmem>>, vector<16xi32>,
      %parallel_loop3A_73 = arith.index_cast %parallel_loop3A_66 : i32 to index
      %parallel_loop3A_74 = arith.constant 32 : index
      %parallel_loop3A_75 = tpu.vector_load %arg5[%parallel_loop3A_73, %parallel_loop3A_74] {strides = array<i32>} : memref<128x256xi32, #tpu.memory_space<vmem>>, vector<16xi32>,
      tpu.vector_store %arg5[%parallel_loop3A_73, %parallel_loop3A_74], %broadcast_in_dim3A_6 {strides = array<i32>} : memref<128x256xi32, #tpu.memory_space<vmem>>, vector<16xi32>,
      %parallel_loop3A_76 = arith.index_cast %parallel_loop3A_66 : i32 to index
      %parallel_loop3A_77 = arith.constant 48 : index
      %parallel_loop3A_78 = tpu.vector_load %arg5[%parallel_loop3A_76, %parallel_loop3A_77] {strides = array<i32>} : memref<128x256xi32, #tpu.memory_space<vmem>>, vector<16xi32>,
      tpu.vector_store %arg5[%parallel_loop3A_76, %parallel_loop3A_77], %broadcast_in_dim3A_6 {strides = array<i32>} : memref<128x256xi32, #tpu.memory_space<vmem>>, vector<16xi32>,
      %parallel_loop3A_79 = arith.index_cast %parallel_loop3A_66 : i32 to index
      %parallel_loop3A_80 = arith.constant 64 : index
      %parallel_loop3A_81 = tpu.vector_load %arg5[%parallel_loop3A_79, %parallel_loop3A_80] {strides = array<i32>} : memref<128x256xi32, #tpu.memory_space<vmem>>, vector<16xi32>,
      tpu.vector_store %arg5[%parallel_loop3A_79, %parallel_loop3A_80], %broadcast_in_dim3A_6 {strides = array<i32>} : memref<128x256xi32, #tpu.memory_space<vmem>>, vector<16xi32>,
      %parallel_loop3A_82 = arith.index_cast %parallel_loop3A_66 : i32 to index
      %parallel_loop3A_83 = arith.constant 80 : index
      %parallel_loop3A_84 = tpu.vector_load %arg5[%parallel_loop3A_82, %parallel_loop3A_83] {strides = array<i32>} : memref<128x256xi32, #tpu.memory_space<vmem>>, vector<16xi32>,
      tpu.vector_store %arg5[%parallel_loop3A_82, %parallel_loop3A_83], %broadcast_in_dim3A_6 {strides = array<i32>} : memref<128x256xi32, #tpu.memory_space<vmem>>, vector<16xi32>,
      %parallel_loop3A_85 = arith.index_cast %parallel_loop3A_66 : i32 to index
      %parallel_loop3A_86 = arith.constant 96 : index
      %parallel_loop3A_87 = tpu.vector_load %arg5[%parallel_loop3A_85, %parallel_loop3A_86] {strides = array<i32>} : memref<128x256xi32, #tpu.memory_space<vmem>>, vector<16xi32>,
      tpu.vector_store %arg5[%parallel_loop3A_85, %parallel_loop3A_86], %broadcast_in_dim3A_6 {strides = array<i32>} : memref<128x256xi32, #tpu.memory_space<vmem>>, vector<16xi32>,
      %parallel_loop3A_88 = arith.index_cast %parallel_loop3A_66 : i32 to index
      %parallel_loop3A_89 = arith.constant 112 : index
      %parallel_loop3A_90 = tpu.vector_load %arg5[%parallel_loop3A_88, %parallel_loop3A_89] {strides = array<i32>} : memref<128x256xi32, #tpu.memory_space<vmem>>, vector<16xi32>,
      tpu.vector_store %arg5[%parallel_loop3A_88, %parallel_loop3A_89], %broadcast_in_dim3A_6 {strides = array<i32>} : memref<128x256xi32, #tpu.memory_space<vmem>>, vector<16xi32>,
      %parallel_loop3A_91 = arith.index_cast %parallel_loop3A_66 : i32 to index
      %parallel_loop3A_92 = arith.constant 128 : index
      %parallel_loop3A_93 = tpu.vector_load %arg5[%parallel_loop3A_91, %parallel_loop3A_92] {strides = array<i32>} : memref<128x256xi32, #tpu.memory_space<vmem>>, vector<16xi32>,
      tpu.vector_store %arg5[%parallel_loop3A_91, %parallel_loop3A_92], %broadcast_in_dim3A_6 {strides = array<i32>} : memref<128x256xi32, #tpu.memory_space<vmem>>, vector<16xi32>,
      %parallel_loop3A_94 = arith.index_cast %parallel_loop3A_66 : i32 to index
      %parallel_loop3A_95 = arith.constant 144 : index
      %parallel_loop3A_96 = tpu.vector_load %arg5[%parallel_loop3A_94, %parallel_loop3A_95] {strides = array<i32>} : memref<128x256xi32, #tpu.memory_space<vmem>>, vector<16xi32>,
      tpu.vector_store %arg5[%parallel_loop3A_94, %parallel_loop3A_95], %broadcast_in_dim3A_6 {strides = array<i32>} : memref<128x256xi32, #tpu.memory_space<vmem>>, vector<16xi32>,
      %parallel_loop3A_97 = arith.index_cast %parallel_loop3A_66 : i32 to index
      %parallel_loop3A_98 = arith.constant 160 : index
      %parallel_loop3A_99 = tpu.vector_load %arg5[%parallel_loop3A_97, %parallel_loop3A_98] {strides = array<i32>} : memref<128x256xi32, #tpu.memory_space<vmem>>, vector<16xi32>,
      tpu.vector_store %arg5[%parallel_loop3A_97, %parallel_loop3A_98], %broadcast_in_dim3A_6 {strides = array<i32>} : memref<128x256xi32, #tpu.memory_space<vmem>>, vector<16xi32>,
      %parallel_loop3A_100 = arith.index_cast %parallel_loop3A_66 : i32 to index
      %parallel_loop3A_101 = arith.constant 176 : index
      %parallel_loop3A_102 = tpu.vector_load %arg5[%parallel_loop3A_100, %parallel_loop3A_101] {strides = array<i32>} : memref<128x256xi32, #tpu.memory_space<vmem>>, vector<16xi32>,
      tpu.vector_store %arg5[%parallel_loop3A_100, %parallel_loop3A_101], %broadcast_in_dim3A_6 {strides = array<i32>} : memref<128x256xi32, #tpu.memory_space<vmem>>, vector<16xi32>,
      %parallel_loop3A_103 = arith.index_cast %parallel_loop3A_66 : i32 to index
      %parallel_loop3A_104 = arith.constant 192 : index
      %parallel_loop3A_105 = tpu.vector_load %arg5[%parallel_loop3A_103, %parallel_loop3A_104] {strides = array<i32>} : memref<128x256xi32, #tpu.memory_space<vmem>>, vector<16xi32>,
      tpu.vector_store %arg5[%parallel_loop3A_103, %parallel_loop3A_104], %broadcast_in_dim3A_6 {strides = array<i32>} : memref<128x256xi32, #tpu.memory_space<vmem>>, vector<16xi32>,
      %parallel_loop3A_106 = arith.index_cast %parallel_loop3A_66 : i32 to index
      %parallel_loop3A_107 = arith.constant 208 : index
      %parallel_loop3A_108 = tpu.vector_load %arg5[%parallel_loop3A_106, %parallel_loop3A_107] {strides = array<i32>} : memref<128x256xi32, #tpu.memory_space<vmem>>, vector<16xi32>,
      tpu.vector_store %arg5[%parallel_loop3A_106, %parallel_loop3A_107], %broadcast_in_dim3A_6 {strides = array<i32>} : memref<128x256xi32, #tpu.memory_space<vmem>>, vector<16xi32>,
      %parallel_loop3A_109 = arith.index_cast %parallel_loop3A_66 : i32 to index
      %parallel_loop3A_110 = arith.constant 224 : index
      %parallel_loop3A_111 = tpu.vector_load %arg5[%parallel_loop3A_109, %parallel_loop3A_110] {strides = array<i32>} : memref<128x256xi32, #tpu.memory_space<vmem>>, vector<16xi32>,
      tpu.vector_store %arg5[%parallel_loop3A_109, %parallel_loop3A_110], %broadcast_in_dim3A_6 {strides = array<i32>} : memref<128x256xi32, #tpu.memory_space<vmem>>, vector<16xi32>,
      %parallel_loop3A_112 = arith.index_cast %parallel_loop3A_66 : i32 to index
      %parallel_loop3A_113 = arith.constant 240 : index
      %parallel_loop3A_114 = tpu.vector_load %arg5[%parallel_loop3A_112, %parallel_loop3A_113] {strides = array<i32>} : memref<128x256xi32, #tpu.memory_space<vmem>>, vector<16xi32>,
      tpu.vector_store %arg5[%parallel_loop3A_112, %parallel_loop3A_113], %broadcast_in_dim3A_6 {strides = array<i32>} : memref<128x256xi32, #tpu.memory_space<vmem>>, vector<16xi32>,
    } {sc.loop_unroll_factor = 2 : i64, sc.parallel_access}
    %dma_wait3A = arith.constant 0 : i32
    %dma_wait3A_9 = tpu.memref_slice %arg2[%dma_wait3A, %mul3A_2] : memref<200x4096xi32, #tpu.memory_space<hbm>> -> memref<200x128xi32, #tpu.memory_space<hbm>>
    %dma_wait3A_10 = arith.constant 0 : i32
    %dma_wait3A_11 = tpu.memref_slice %arg2[%dma_wait3A_10, %mul3A_2] : memref<200x4096xi32, #tpu.memory_space<hbm>> -> memref<200x128xi32, #tpu.memory_space<hbm>>
    tpu.wait_dma2 semaphore(%arg6 : memref<!tpu.dma_semaphore, #tpu.memory_space<semaphore_mem>>) src(%dma_wait3A_11 : memref<200x128xi32, #tpu.memory_space<hbm>>) dst(%arg4 : memref<200x128xi32, #tpu.memory_space<vmem>>)
    %broadcast_in_dim3A_12 = arith.constant 1 : i32
    %broadcast_in_dim3A_13 = vector.broadcast %broadcast_in_dim3A_12 : i32 to vector<16xi32>
    %iota3A = tpu.iota {dimensions = array<i32: 0>} : vector<16xi32>
    %add3A_14 = arith.constant 0 : i32
    %add3A_15 = vector.broadcast %add3A_14 : i32 to vector<16xi32>
    %add3A_16 = arith.addi %iota3A, %add3A_15 : vector<16xi32>
    %add3A_17 = arith.constant 16 : i32
    %add3A_18 = vector.broadcast %add3A_17 : i32 to vector<16xi32>
    %add3A_19 = arith.addi %iota3A, %add3A_18 : vector<16xi32>
    %add3A_20 = arith.constant 32 : i32
    %add3A_21 = vector.broadcast %add3A_20 : i32 to vector<16xi32>
    %add3A_22 = arith.addi %iota3A, %add3A_21 : vector<16xi32>
    %add3A_23 = arith.constant 48 : i32
    %add3A_24 = vector.broadcast %add3A_23 : i32 to vector<16xi32>
    %add3A_25 = arith.addi %iota3A, %add3A_24 : vector<16xi32>
    %add3A_26 = arith.constant 64 : i32
    %add3A_27 = vector.broadcast %add3A_26 : i32 to vector<16xi32>
    %add3A_28 = arith.addi %iota3A, %add3A_27 : vector<16xi32>
    %add3A_29 = arith.constant 80 : i32
    %add3A_30 = vector.broadcast %add3A_29 : i32 to vector<16xi32>
    %add3A_31 = arith.addi %iota3A, %add3A_30 : vector<16xi32>
    %add3A_32 = arith.constant 96 : i32
    %add3A_33 = vector.broadcast %add3A_32 : i32 to vector<16xi32>
    %add3A_34 = arith.addi %iota3A, %add3A_33 : vector<16xi32>
    %add3A_35 = arith.constant 112 : i32
    %add3A_36 = vector.broadcast %add3A_35 : i32 to vector<16xi32>
    %add3A_37 = arith.addi %iota3A, %add3A_36 : vector<16xi32>
    %parallel_loop3A_38 = arith.constant 0 : i32
    %parallel_loop3A_39 = arith.constant 200 : i32
    %parallel_loop3A_40 = arith.constant 1 : i32
    scf.for %parallel_loop3A_66 = %parallel_loop3A_38 to %parallel_loop3A_39 step %parallel_loop3A_40  : i32 {
      %parallel_loop3A_67 = arith.index_cast %parallel_loop3A_66 : i32 to index
      %parallel_loop3A_68 = arith.constant 0 : index
      %parallel_loop3A_69 = tpu.vector_load %arg4[%parallel_loop3A_67, %parallel_loop3A_68] {strides = array<i32>} : memref<200x128xi32, #tpu.memory_space<vmem>>, vector<16xi32>,
      %parallel_loop3A_70 = arith.constant 8 : i32
      %parallel_loop3A_71 = vector.broadcast %parallel_loop3A_70 : i32 to vector<16xi32>
      %parallel_loop3A_72 = arith.shrsi %parallel_loop3A_69, %parallel_loop3A_71 : vector<16xi32>
      %parallel_loop3A_73 = arith.constant 3 : i32
      %parallel_loop3A_74 = vector.broadcast %parallel_loop3A_73 : i32 to vector<16xi32>
      %parallel_loop3A_75 = arith.shli %parallel_loop3A_72, %parallel_loop3A_74 : vector<16xi32>
      %parallel_loop3A_76 = arith.shli %broadcast_in_dim3A_13, %parallel_loop3A_75 : vector<16xi32>
      %parallel_loop3A_77 = arith.constant 255 : i32
      %parallel_loop3A_78 = vector.broadcast %parallel_loop3A_77 : i32 to vector<16xi32>
      %parallel_loop3A_79 = arith.andi %parallel_loop3A_69, %parallel_loop3A_78 : vector<16xi32>
      tpu.vector_store_idx %arg5[%add3A_16, %parallel_loop3A_79], %parallel_loop3A_76 {add = true} : memref<128x256xi32, #tpu.memory_space<vmem>>[vector<16xi32>, vector<16xi32>], vector<16xi32>,
      %parallel_loop3A_80 = arith.index_cast %parallel_loop3A_66 : i32 to index
      %parallel_loop3A_81 = arith.constant 16 : index
      %parallel_loop3A_82 = tpu.vector_load %arg4[%parallel_loop3A_80, %parallel_loop3A_81] {strides = array<i32>} : memref<200x128xi32, #tpu.memory_space<vmem>>, vector<16xi32>,
      %parallel_loop3A_83 = arith.constant 8 : i32
      %parallel_loop3A_84 = vector.broadcast %parallel_loop3A_83 : i32 to vector<16xi32>
      %parallel_loop3A_85 = arith.shrsi %parallel_loop3A_82, %parallel_loop3A_84 : vector<16xi32>
      %parallel_loop3A_86 = arith.constant 3 : i32
      %parallel_loop3A_87 = vector.broadcast %parallel_loop3A_86 : i32 to vector<16xi32>
      %parallel_loop3A_88 = arith.shli %parallel_loop3A_85, %parallel_loop3A_87 : vector<16xi32>
      %parallel_loop3A_89 = arith.shli %broadcast_in_dim3A_13, %parallel_loop3A_88 : vector<16xi32>
      %parallel_loop3A_90 = arith.constant 255 : i32
      %parallel_loop3A_91 = vector.broadcast %parallel_loop3A_90 : i32 to vector<16xi32>
      %parallel_loop3A_92 = arith.andi %parallel_loop3A_82, %parallel_loop3A_91 : vector<16xi32>
      tpu.vector_store_idx %arg5[%add3A_19, %parallel_loop3A_92], %parallel_loop3A_89 {add = true} : memref<128x256xi32, #tpu.memory_space<vmem>>[vector<16xi32>, vector<16xi32>], vector<16xi32>,
      %parallel_loop3A_93 = arith.index_cast %parallel_loop3A_66 : i32 to index
      %parallel_loop3A_94 = arith.constant 32 : index
      %parallel_loop3A_95 = tpu.vector_load %arg4[%parallel_loop3A_93, %parallel_loop3A_94] {strides = array<i32>} : memref<200x128xi32, #tpu.memory_space<vmem>>, vector<16xi32>,
      %parallel_loop3A_96 = arith.constant 8 : i32
      %parallel_loop3A_97 = vector.broadcast %parallel_loop3A_96 : i32 to vector<16xi32>
      %parallel_loop3A_98 = arith.shrsi %parallel_loop3A_95, %parallel_loop3A_97 : vector<16xi32>
      %parallel_loop3A_99 = arith.constant 3 : i32
      %parallel_loop3A_100 = vector.broadcast %parallel_loop3A_99 : i32 to vector<16xi32>
      %parallel_loop3A_101 = arith.shli %parallel_loop3A_98, %parallel_loop3A_100 : vector<16xi32>
      %parallel_loop3A_102 = arith.shli %broadcast_in_dim3A_13, %parallel_loop3A_101 : vector<16xi32>
      %parallel_loop3A_103 = arith.constant 255 : i32
      %parallel_loop3A_104 = vector.broadcast %parallel_loop3A_103 : i32 to vector<16xi32>
      %parallel_loop3A_105 = arith.andi %parallel_loop3A_95, %parallel_loop3A_104 : vector<16xi32>
      tpu.vector_store_idx %arg5[%add3A_22, %parallel_loop3A_105], %parallel_loop3A_102 {add = true} : memref<128x256xi32, #tpu.memory_space<vmem>>[vector<16xi32>, vector<16xi32>], vector<16xi32>,
      %parallel_loop3A_106 = arith.index_cast %parallel_loop3A_66 : i32 to index
      %parallel_loop3A_107 = arith.constant 48 : index
      %parallel_loop3A_108 = tpu.vector_load %arg4[%parallel_loop3A_106, %parallel_loop3A_107] {strides = array<i32>} : memref<200x128xi32, #tpu.memory_space<vmem>>, vector<16xi32>,
      %parallel_loop3A_109 = arith.constant 8 : i32
      %parallel_loop3A_110 = vector.broadcast %parallel_loop3A_109 : i32 to vector<16xi32>
      %parallel_loop3A_111 = arith.shrsi %parallel_loop3A_108, %parallel_loop3A_110 : vector<16xi32>
      %parallel_loop3A_112 = arith.constant 3 : i32
      %parallel_loop3A_113 = vector.broadcast %parallel_loop3A_112 : i32 to vector<16xi32>
      %parallel_loop3A_114 = arith.shli %parallel_loop3A_111, %parallel_loop3A_113 : vector<16xi32>
      %parallel_loop3A_115 = arith.shli %broadcast_in_dim3A_13, %parallel_loop3A_114 : vector<16xi32>
      %parallel_loop3A_116 = arith.constant 255 : i32
      %parallel_loop3A_117 = vector.broadcast %parallel_loop3A_116 : i32 to vector<16xi32>
      %parallel_loop3A_118 = arith.andi %parallel_loop3A_108, %parallel_loop3A_117 : vector<16xi32>
      tpu.vector_store_idx %arg5[%add3A_25, %parallel_loop3A_118], %parallel_loop3A_115 {add = true} : memref<128x256xi32, #tpu.memory_space<vmem>>[vector<16xi32>, vector<16xi32>], vector<16xi32>,
    } {sc.loop_unroll_factor = 2 : i64, sc.parallel_access}
    %dma_start3A_41 = arith.constant 0 : i32
    %dma_start3A_42 = arith.constant 0 : i32
    %dma_start3A_43 = tpu.memref_slice %arg5[%dma_start3A_41, %dma_start3A_42] : memref<128x256xi32, #tpu.memory_space<vmem>> -> memref<64x256xi32, #tpu.memory_space<vmem>>
    %dma_start3A_44 = arith.constant 0 : i32
    %dma_start3A_45 = tpu.memref_slice %arg3[%mul3A_2, %dma_start3A_44] : memref<4096x256xi32, #tpu.memory_space<hbm>> -> memref<64x256xi32, #tpu.memory_space<hbm>>
    %dma_start3A_46 = arith.constant 0 : i32
    %dma_start3A_47 = tpu.memref_slice %arg3[%mul3A_2, %dma_start3A_46] : memref<4096x256xi32, #tpu.memory_space<hbm>> -> memref<64x256xi32, #tpu.memory_space<hbm>>
    %dma_start3A_48 = arith.constant 0 : i32
    %dma_start3A_49 = arith.constant 0 : i32
    %dma_start3A_50 = tpu.memref_slice %arg5[%dma_start3A_48, %dma_start3A_49] : memref<128x256xi32, #tpu.memory_space<vmem>> -> memref<64x256xi32, #tpu.memory_space<vmem>>
    tpu.enqueue_dma source(%dma_start3A_50 : memref<64x256xi32, #tpu.memory_space<vmem>>) target(%dma_start3A_47 : memref<64x256xi32, #tpu.memory_space<hbm>>) target_semaphore(%arg6 : memref<!tpu.dma_semaphore, #tpu.memory_space<semaphore_mem>>)
    %parallel_loop3A_51 = arith.constant 0 : i32
    %parallel_loop3A_52 = arith.constant 200 : i32
    %parallel_loop3A_53 = arith.constant 1 : i32
    scf.for %parallel_loop3A_66 = %parallel_loop3A_51 to %parallel_loop3A_52 step %parallel_loop3A_53  : i32 {
      %parallel_loop3A_67 = arith.index_cast %parallel_loop3A_66 : i32 to index
      %parallel_loop3A_68 = arith.constant 64 : index
      %parallel_loop3A_69 = tpu.vector_load %arg4[%parallel_loop3A_67, %parallel_loop3A_68] {strides = array<i32>} : memref<200x128xi32, #tpu.memory_space<vmem>>, vector<16xi32>,
      %parallel_loop3A_70 = arith.constant 8 : i32
      %parallel_loop3A_71 = vector.broadcast %parallel_loop3A_70 : i32 to vector<16xi32>
      %parallel_loop3A_72 = arith.shrsi %parallel_loop3A_69, %parallel_loop3A_71 : vector<16xi32>
      %parallel_loop3A_73 = arith.constant 3 : i32
      %parallel_loop3A_74 = vector.broadcast %parallel_loop3A_73 : i32 to vector<16xi32>
      %parallel_loop3A_75 = arith.shli %parallel_loop3A_72, %parallel_loop3A_74 : vector<16xi32>
      %parallel_loop3A_76 = arith.shli %broadcast_in_dim3A_13, %parallel_loop3A_75 : vector<16xi32>
      %parallel_loop3A_77 = arith.constant 255 : i32
      %parallel_loop3A_78 = vector.broadcast %parallel_loop3A_77 : i32 to vector<16xi32>
      %parallel_loop3A_79 = arith.andi %parallel_loop3A_69, %parallel_loop3A_78 : vector<16xi32>
      tpu.vector_store_idx %arg5[%add3A_28, %parallel_loop3A_79], %parallel_loop3A_76 {add = true} : memref<128x256xi32, #tpu.memory_space<vmem>>[vector<16xi32>, vector<16xi32>], vector<16xi32>,
      %parallel_loop3A_80 = arith.index_cast %parallel_loop3A_66 : i32 to index
      %parallel_loop3A_81 = arith.constant 80 : index
      %parallel_loop3A_82 = tpu.vector_load %arg4[%parallel_loop3A_80, %parallel_loop3A_81] {strides = array<i32>} : memref<200x128xi32, #tpu.memory_space<vmem>>, vector<16xi32>,
      %parallel_loop3A_83 = arith.constant 8 : i32
      %parallel_loop3A_84 = vector.broadcast %parallel_loop3A_83 : i32 to vector<16xi32>
      %parallel_loop3A_85 = arith.shrsi %parallel_loop3A_82, %parallel_loop3A_84 : vector<16xi32>
      %parallel_loop3A_86 = arith.constant 3 : i32
      %parallel_loop3A_87 = vector.broadcast %parallel_loop3A_86 : i32 to vector<16xi32>
      %parallel_loop3A_88 = arith.shli %parallel_loop3A_85, %parallel_loop3A_87 : vector<16xi32>
      %parallel_loop3A_89 = arith.shli %broadcast_in_dim3A_13, %parallel_loop3A_88 : vector<16xi32>
      %parallel_loop3A_90 = arith.constant 255 : i32
      %parallel_loop3A_91 = vector.broadcast %parallel_loop3A_90 : i32 to vector<16xi32>
      %parallel_loop3A_92 = arith.andi %parallel_loop3A_82, %parallel_loop3A_91 : vector<16xi32>
      tpu.vector_store_idx %arg5[%add3A_31, %parallel_loop3A_92], %parallel_loop3A_89 {add = true} : memref<128x256xi32, #tpu.memory_space<vmem>>[vector<16xi32>, vector<16xi32>], vector<16xi32>,
      %parallel_loop3A_93 = arith.index_cast %parallel_loop3A_66 : i32 to index
      %parallel_loop3A_94 = arith.constant 96 : index
      %parallel_loop3A_95 = tpu.vector_load %arg4[%parallel_loop3A_93, %parallel_loop3A_94] {strides = array<i32>} : memref<200x128xi32, #tpu.memory_space<vmem>>, vector<16xi32>,
      %parallel_loop3A_96 = arith.constant 8 : i32
      %parallel_loop3A_97 = vector.broadcast %parallel_loop3A_96 : i32 to vector<16xi32>
      %parallel_loop3A_98 = arith.shrsi %parallel_loop3A_95, %parallel_loop3A_97 : vector<16xi32>
      %parallel_loop3A_99 = arith.constant 3 : i32
      %parallel_loop3A_100 = vector.broadcast %parallel_loop3A_99 : i32 to vector<16xi32>
      %parallel_loop3A_101 = arith.shli %parallel_loop3A_98, %parallel_loop3A_100 : vector<16xi32>
      %parallel_loop3A_102 = arith.shli %broadcast_in_dim3A_13, %parallel_loop3A_101 : vector<16xi32>
      %parallel_loop3A_103 = arith.constant 255 : i32
      %parallel_loop3A_104 = vector.broadcast %parallel_loop3A_103 : i32 to vector<16xi32>
      %parallel_loop3A_105 = arith.andi %parallel_loop3A_95, %parallel_loop3A_104 : vector<16xi32>
      tpu.vector_store_idx %arg5[%add3A_34, %parallel_loop3A_105], %parallel_loop3A_102 {add = true} : memref<128x256xi32, #tpu.memory_space<vmem>>[vector<16xi32>, vector<16xi32>], vector<16xi32>,
      %parallel_loop3A_106 = arith.index_cast %parallel_loop3A_66 : i32 to index
      %parallel_loop3A_107 = arith.constant 112 : index
      %parallel_loop3A_108 = tpu.vector_load %arg4[%parallel_loop3A_106, %parallel_loop3A_107] {strides = array<i32>} : memref<200x128xi32, #tpu.memory_space<vmem>>, vector<16xi32>,
      %parallel_loop3A_109 = arith.constant 8 : i32
      %parallel_loop3A_110 = vector.broadcast %parallel_loop3A_109 : i32 to vector<16xi32>
      %parallel_loop3A_111 = arith.shrsi %parallel_loop3A_108, %parallel_loop3A_110 : vector<16xi32>
      %parallel_loop3A_112 = arith.constant 3 : i32
      %parallel_loop3A_113 = vector.broadcast %parallel_loop3A_112 : i32 to vector<16xi32>
      %parallel_loop3A_114 = arith.shli %parallel_loop3A_111, %parallel_loop3A_113 : vector<16xi32>
      %parallel_loop3A_115 = arith.shli %broadcast_in_dim3A_13, %parallel_loop3A_114 : vector<16xi32>
      %parallel_loop3A_116 = arith.constant 255 : i32
      %parallel_loop3A_117 = vector.broadcast %parallel_loop3A_116 : i32 to vector<16xi32>
      %parallel_loop3A_118 = arith.andi %parallel_loop3A_108, %parallel_loop3A_117 : vector<16xi32>
      tpu.vector_store_idx %arg5[%add3A_37, %parallel_loop3A_118], %parallel_loop3A_115 {add = true} : memref<128x256xi32, #tpu.memory_space<vmem>>[vector<16xi32>, vector<16xi32>], vector<16xi32>,
    } {sc.loop_unroll_factor = 2 : i64, sc.parallel_access}
    %dma_wait3A_54 = arith.constant 0 : i32
    %dma_wait3A_55 = arith.constant 0 : i32
    %dma_wait3A_56 = tpu.memref_slice %arg5[%dma_wait3A_54, %dma_wait3A_55] : memref<128x256xi32, #tpu.memory_space<vmem>> -> memref<64x256xi32, #tpu.memory_space<vmem>>
    %dma_wait3A_57 = arith.constant 0 : i32
    %dma_wait3A_58 = tpu.memref_slice %arg3[%mul3A_2, %dma_wait3A_57] : memref<4096x256xi32, #tpu.memory_space<hbm>> -> memref<64x256xi32, #tpu.memory_space<hbm>>
    %dma_wait3A_59 = arith.constant 0 : i32
    %dma_wait3A_60 = tpu.memref_slice %arg3[%mul3A_2, %dma_wait3A_59] : memref<4096x256xi32, #tpu.memory_space<hbm>> -> memref<64x256xi32, #tpu.memory_space<hbm>>
    %dma_wait3A_61 = arith.constant 0 : i32
    %dma_wait3A_62 = arith.constant 0 : i32
    %dma_wait3A_63 = tpu.memref_slice %arg5[%dma_wait3A_61, %dma_wait3A_62] : memref<128x256xi32, #tpu.memory_space<vmem>> -> memref<64x256xi32, #tpu.memory_space<vmem>>
    tpu.wait_dma2 semaphore(%arg6 : memref<!tpu.dma_semaphore, #tpu.memory_space<semaphore_mem>>) src(%dma_wait3A_63 : memref<64x256xi32, #tpu.memory_space<vmem>>) dst(%dma_wait3A_60 : memref<64x256xi32, #tpu.memory_space<hbm>>)
    %add3A_64 = arith.constant 64 : i32
    %add3A_65 = arith.addi %mul3A_2, %add3A_64 : i32
    "tpu.region"() ({
      %run_scoped3A = tpu.sem_alloc : memref<!tpu.dma_semaphore, #tpu.memory_space<semaphore_mem>>
      %dma_start3A_66 = arith.constant 64 : i32
      %dma_start3A_67 = arith.constant 0 : i32
      %dma_start3A_68 = tpu.memref_slice %arg5[%dma_start3A_66, %dma_start3A_67] : memref<128x256xi32, #tpu.memory_space<vmem>> -> memref<64x256xi32, #tpu.memory_space<vmem>>
      %dma_start3A_69 = arith.constant 0 : i32
      %dma_start3A_70 = tpu.memref_slice %arg3[%add3A_65, %dma_start3A_69] : memref<4096x256xi32, #tpu.memory_space<hbm>> -> memref<64x256xi32, #tpu.memory_space<hbm>>
      %dma_start3A_71 = arith.constant 0 : i32
      %dma_start3A_72 = tpu.memref_slice %arg3[%add3A_65, %dma_start3A_71] : memref<4096x256xi32, #tpu.memory_space<hbm>> -> memref<64x256xi32, #tpu.memory_space<hbm>>
      %dma_start3A_73 = arith.constant 64 : i32
      %dma_start3A_74 = arith.constant 0 : i32
      %dma_start3A_75 = tpu.memref_slice %arg5[%dma_start3A_73, %dma_start3A_74] : memref<128x256xi32, #tpu.memory_space<vmem>> -> memref<64x256xi32, #tpu.memory_space<vmem>>
      tpu.enqueue_dma source(%dma_start3A_75 : memref<64x256xi32, #tpu.memory_space<vmem>>) target(%dma_start3A_72 : memref<64x256xi32, #tpu.memory_space<hbm>>) target_semaphore(%run_scoped3A : memref<!tpu.dma_semaphore, #tpu.memory_space<semaphore_mem>>)
      %dma_wait3A_76 = arith.constant 64 : i32
      %dma_wait3A_77 = arith.constant 0 : i32
      %dma_wait3A_78 = tpu.memref_slice %arg5[%dma_wait3A_76, %dma_wait3A_77] : memref<128x256xi32, #tpu.memory_space<vmem>> -> memref<64x256xi32, #tpu.memory_space<vmem>>
      %dma_wait3A_79 = arith.constant 0 : i32
      %dma_wait3A_80 = tpu.memref_slice %arg3[%add3A_65, %dma_wait3A_79] : memref<4096x256xi32, #tpu.memory_space<hbm>> -> memref<64x256xi32, #tpu.memory_space<hbm>>
      %dma_wait3A_81 = arith.constant 0 : i32
      %dma_wait3A_82 = tpu.memref_slice %arg3[%add3A_65, %dma_wait3A_81] : memref<4096x256xi32, #tpu.memory_space<hbm>> -> memref<64x256xi32, #tpu.memory_space<hbm>>
      %dma_wait3A_83 = arith.constant 64 : i32
      %dma_wait3A_84 = arith.constant 0 : i32
      %dma_wait3A_85 = tpu.memref_slice %arg5[%dma_wait3A_83, %dma_wait3A_84] : memref<128x256xi32, #tpu.memory_space<vmem>> -> memref<64x256xi32, #tpu.memory_space<vmem>>
      tpu.wait_dma2 semaphore(%run_scoped3A : memref<!tpu.dma_semaphore, #tpu.memory_space<semaphore_mem>>) src(%dma_wait3A_85 : memref<64x256xi32, #tpu.memory_space<vmem>>) dst(%dma_wait3A_82 : memref<64x256xi32, #tpu.memory_space<hbm>>)
      tpu.yield
    }) : () -> ()
    return
  }
}

module attributes {stable_mosaic.version = 14 : i64} {
  func.func @_final_kernel(%arg0: i32, %arg1: memref<2048x256xi32, #tpu.memory_space<vmem>>, %arg2: memref<1000x128xf32, #tpu.memory_space<vmem>>, %arg3: memref<100x128xf32, #tpu.memory_space<vmem>>, %arg4: memref<1x100xf32, #tpu.memory_space<vmem>>, %arg5: memref<100x2048xf32, #tpu.memory_space<vmem>>, %arg6: memref<1024x100xf32, #tpu.memory_space<vmem>>) attributes {dimension_semantics = [#tpu.dimension_semantics<arbitrary>], iteration_bounds = array<i64: 2>, scalar_prefetch = 0 : i64, scratch_operands = 1 : i64, tpu.core_type = #tpu.core_type<tc>, window_params = [{transform_indices = @transform_0, window_bounds = array<i64: 2048, 256>}, {pipeline_mode = #tpu.pipeline_mode<synchronous>, transform_indices = @transform_1, window_bounds = array<i64: 1000, 128>}, {pipeline_mode = #tpu.pipeline_mode<synchronous>, transform_indices = @transform_2, window_bounds = array<i64: 100, 128>}, {pipeline_mode = #tpu.pipeline_mode<synchronous>, transform_indices = @transform_3, window_bounds = array<i64: 1, 100>}, {transform_indices = @transform_4, window_bounds = array<i64: 100, 2048>}]} {
    %eq3A = arith.constant 0 : i32
    %eq3A_0 = arith.cmpi eq, %arg0, %eq3A : i32
    %convert_element_type3A = arith.extui %eq3A_0 : i1 to i32
    %cond3A = arith.constant 0 : i32
    %cond3A_1 = arith.cmpi ne, %convert_element_type3A, %cond3A : i32
    scf.if %cond3A_1 {
      %broadcast_in_dim3A_62 = arith.constant 0.000000e+00 : f32
      %broadcast_in_dim3A_63 = vector.broadcast %broadcast_in_dim3A_62 : f32 to vector<1024x100xf32>
      %swap3A_64 = arith.constant 0 : index
      %swap3A_65 = arith.constant 0 : index
      %swap3A_66 = vector.load %arg6[%swap3A_64, %swap3A_65] : memref<1024x100xf32, #tpu.memory_space<vmem>>, vector<1024x100xf32>
      tpu.vector_store %arg6[%swap3A_64, %swap3A_65], %broadcast_in_dim3A_63 {strides = array<i32>} : memref<1024x100xf32, #tpu.memory_space<vmem>>, vector<1024x100xf32>,
      %get3A_67 = arith.constant 0 : index
      %get3A_68 = arith.constant 0 : index
      %get3A_69 = vector.load %arg2[%get3A_67, %get3A_68] : memref<1000x128xf32, #tpu.memory_space<vmem>>, vector<1000x128xf32>
      %get3A_70 = arith.constant 0 : index
      %get3A_71 = arith.constant 0 : index
      %get3A_72 = vector.load %arg3[%get3A_70, %get3A_71] : memref<100x128xf32, #tpu.memory_space<vmem>>, vector<100x128xf32>
      %dot_general3A_73 = arith.constant dense<0.000000e+00> : vector<1000x100xf32>
      %dot_general3A_74 = tpu.matmul %get3A_69, %get3A_72, %dot_general3A_73 {dimension_numbers = #tpu.dot_dimension_numbers<[1], [1], [0], [0], [0, 0, 1, 0], [], []>, transpose_lhs_hint = false} : vector<1000x128xf32>, vector<100x128xf32>, vector<1000x100xf32> -> vector<1000x100xf32>
      %get3A_75 = arith.constant 0 : index
      %get3A_76 = arith.constant 0 : index
      %get3A_77 = vector.load %arg4[%get3A_75, %get3A_76] : memref<1x100xf32, #tpu.memory_space<vmem>>, vector<1x100xf32>
      %add3A_78 = vector.broadcast %get3A_77 : vector<1x100xf32> to vector<1000x100xf32>
      %add3A_79 = arith.addf %dot_general3A_74, %add3A_78 : vector<1000x100xf32>
      %mul3A = arith.constant 5.000000e-03 : f32
      %mul3A_80 = vector.broadcast %mul3A : f32 to vector<1000x100xf32>
      %mul3A_81 = arith.mulf %add3A_79, %mul3A_80 : vector<1000x100xf32>
      %swap3A_82 = arith.constant 0 : index
      %swap3A_83 = arith.constant 0 : index
      %swap3A_84 = vector.load %arg6[%swap3A_82, %swap3A_83] : memref<1024x100xf32, #tpu.memory_space<vmem>>, vector<1000x100xf32>
      tpu.vector_store %arg6[%swap3A_82, %swap3A_83], %mul3A_81 {strides = array<i32>} : memref<1024x100xf32, #tpu.memory_space<vmem>>, vector<1000x100xf32>,
    } else {
    }
    %get3A = arith.constant 0 : index
    %get3A_2 = arith.constant 0 : index
    %get3A_3 = vector.load %arg1[%get3A, %get3A_2] : memref<2048x256xi32, #tpu.memory_space<vmem>>, vector<2048x256xi32>
    %broadcast_in_dim3A = arith.constant 0.000000e+00 : f32
    %broadcast_in_dim3A_4 = vector.broadcast %broadcast_in_dim3A : f32 to vector<100x2048xf32>
    %shift_right_arithmetic3A = arith.constant 0 : i32
    %shift_right_arithmetic3A_5 = vector.broadcast %shift_right_arithmetic3A : i32 to vector<2048x256xi32>
    %shift_right_arithmetic3A_6 = arith.shrsi %get3A_3, %shift_right_arithmetic3A_5 : vector<2048x256xi32>
    %and3A = arith.constant 255 : i32
    %and3A_7 = vector.broadcast %and3A : i32 to vector<2048x256xi32>
    %and3A_8 = arith.andi %shift_right_arithmetic3A_6, %and3A_7 : vector<2048x256xi32>
    %convert_element_type3A_9 = arith.sitofp %and3A_8 : vector<2048x256xi32> to vector<2048x256xf32>
    %get3A_10 = arith.constant 0 : index
    %get3A_11 = arith.constant 0 : index
    %get3A_12 = vector.load %arg6[%get3A_10, %get3A_11] : memref<1024x100xf32, #tpu.memory_space<vmem>>, vector<256x100xf32>
    %dot_general3A = arith.constant dense<0.000000e+00> : vector<100x2048xf32>
    %dot_general3A_13 = tpu.matmul %get3A_12, %convert_element_type3A_9, %dot_general3A {dimension_numbers = #tpu.dot_dimension_numbers<[0], [1], [1], [0], [0, 1, 1, 0], [], []>, transpose_lhs_hint = false} : vector<256x100xf32>, vector<2048x256xf32>, vector<100x2048xf32> -> vector<100x2048xf32>
    %add3A = arith.addf %broadcast_in_dim3A_4, %dot_general3A_13 : vector<100x2048xf32>
    %shift_right_arithmetic3A_14 = arith.constant 8 : i32
    %shift_right_arithmetic3A_15 = vector.broadcast %shift_right_arithmetic3A_14 : i32 to vector<2048x256xi32>
    %shift_right_arithmetic3A_16 = arith.shrsi %get3A_3, %shift_right_arithmetic3A_15 : vector<2048x256xi32>
    %and3A_17 = arith.constant 255 : i32
    %and3A_18 = vector.broadcast %and3A_17 : i32 to vector<2048x256xi32>
    %and3A_19 = arith.andi %shift_right_arithmetic3A_16, %and3A_18 : vector<2048x256xi32>
    %convert_element_type3A_20 = arith.sitofp %and3A_19 : vector<2048x256xi32> to vector<2048x256xf32>
    %get3A_21 = arith.constant 256 : index
    %get3A_22 = arith.constant 0 : index
    %get3A_23 = vector.load %arg6[%get3A_21, %get3A_22] : memref<1024x100xf32, #tpu.memory_space<vmem>>, vector<256x100xf32>
    %dot_general3A_24 = arith.constant dense<0.000000e+00> : vector<100x2048xf32>
    %dot_general3A_25 = tpu.matmul %get3A_23, %convert_element_type3A_20, %dot_general3A_24 {dimension_numbers = #tpu.dot_dimension_numbers<[0], [1], [1], [0], [0, 1, 1, 0], [], []>, transpose_lhs_hint = false} : vector<256x100xf32>, vector<2048x256xf32>, vector<100x2048xf32> -> vector<100x2048xf32>
    %add3A_26 = arith.addf %add3A, %dot_general3A_25 : vector<100x2048xf32>
    %shift_right_arithmetic3A_27 = arith.constant 16 : i32
    %shift_right_arithmetic3A_28 = vector.broadcast %shift_right_arithmetic3A_27 : i32 to vector<2048x256xi32>
    %shift_right_arithmetic3A_29 = arith.shrsi %get3A_3, %shift_right_arithmetic3A_28 : vector<2048x256xi32>
    %and3A_30 = arith.constant 255 : i32
    %and3A_31 = vector.broadcast %and3A_30 : i32 to vector<2048x256xi32>
    %and3A_32 = arith.andi %shift_right_arithmetic3A_29, %and3A_31 : vector<2048x256xi32>
    %convert_element_type3A_33 = arith.sitofp %and3A_32 : vector<2048x256xi32> to vector<2048x256xf32>
    %get3A_34 = arith.constant 512 : index
    %get3A_35 = arith.constant 0 : index
    %get3A_36 = vector.load %arg6[%get3A_34, %get3A_35] : memref<1024x100xf32, #tpu.memory_space<vmem>>, vector<256x100xf32>
    %dot_general3A_37 = arith.constant dense<0.000000e+00> : vector<100x2048xf32>
    %dot_general3A_38 = tpu.matmul %get3A_36, %convert_element_type3A_33, %dot_general3A_37 {dimension_numbers = #tpu.dot_dimension_numbers<[0], [1], [1], [0], [0, 1, 1, 0], [], []>, transpose_lhs_hint = false} : vector<256x100xf32>, vector<2048x256xf32>, vector<100x2048xf32> -> vector<100x2048xf32>
    %add3A_39 = arith.addf %add3A_26, %dot_general3A_38 : vector<100x2048xf32>
    %shift_right_arithmetic3A_40 = arith.constant 24 : i32
    %shift_right_arithmetic3A_41 = vector.broadcast %shift_right_arithmetic3A_40 : i32 to vector<2048x256xi32>
    %shift_right_arithmetic3A_42 = arith.shrsi %get3A_3, %shift_right_arithmetic3A_41 : vector<2048x256xi32>
    %and3A_43 = arith.constant 255 : i32
    %and3A_44 = vector.broadcast %and3A_43 : i32 to vector<2048x256xi32>
    %and3A_45 = arith.andi %shift_right_arithmetic3A_42, %and3A_44 : vector<2048x256xi32>
    %convert_element_type3A_46 = arith.sitofp %and3A_45 : vector<2048x256xi32> to vector<2048x256xf32>
    %get3A_47 = arith.constant 768 : index
    %get3A_48 = arith.constant 0 : index
    %get3A_49 = vector.load %arg6[%get3A_47, %get3A_48] : memref<1024x100xf32, #tpu.memory_space<vmem>>, vector<256x100xf32>
    %dot_general3A_50 = arith.constant dense<0.000000e+00> : vector<100x2048xf32>
    %dot_general3A_51 = tpu.matmul %get3A_49, %convert_element_type3A_46, %dot_general3A_50 {dimension_numbers = #tpu.dot_dimension_numbers<[0], [1], [1], [0], [0, 1, 1, 0], [], []>, transpose_lhs_hint = false} : vector<256x100xf32>, vector<2048x256xf32>, vector<100x2048xf32> -> vector<100x2048xf32>
    %add3A_52 = arith.addf %add3A_39, %dot_general3A_51 : vector<100x2048xf32>
    %reduce_max3A = arith.constant dense<0xFF800000> : vector<2048xf32>
    %reduce_max3A_53 = vector.multi_reduction <maximumf>, %add3A_52, %reduce_max3A [0] : vector<100x2048xf32> to vector<2048xf32>
    %broadcast_in_dim3A_54 = vector.shape_cast %reduce_max3A_53 : vector<2048xf32> to vector<1x2048xf32>
    %sub3A = vector.broadcast %broadcast_in_dim3A_54 : vector<1x2048xf32> to vector<100x2048xf32>
    %sub3A_55 = arith.subf %add3A_52, %sub3A : vector<100x2048xf32>
    %exp3A = math.exp %sub3A_55 : vector<100x2048xf32>
    %reduce_sum3A = arith.constant dense<0.000000e+00> : vector<2048xf32>
    %reduce_sum3A_56 = vector.multi_reduction <add>, %exp3A, %reduce_sum3A [0] : vector<100x2048xf32> to vector<2048xf32>
    %broadcast_in_dim3A_57 = vector.shape_cast %reduce_sum3A_56 : vector<2048xf32> to vector<1x2048xf32>
    %log3A = math.log %broadcast_in_dim3A_57 : vector<1x2048xf32>
    %sub3A_58 = vector.broadcast %log3A : vector<1x2048xf32> to vector<100x2048xf32>
    %sub3A_59 = arith.subf %sub3A_55, %sub3A_58 : vector<100x2048xf32>
    %swap3A = arith.constant 0 : index
    %swap3A_60 = arith.constant 0 : index
    %swap3A_61 = vector.load %arg5[%swap3A, %swap3A_60] : memref<100x2048xf32, #tpu.memory_space<vmem>>, vector<100x2048xf32>
    tpu.vector_store %arg5[%swap3A, %swap3A_60], %sub3A_59 {strides = array<i32>} : memref<100x2048xf32, #tpu.memory_space<vmem>>, vector<100x2048xf32>,
    return
  }
  func.func @transform_0(%arg0: i32) -> (i32, i32) {
    %c0_i32 = arith.constant 0 : i32
    %c0_i32_0 = arith.constant 0 : i32
    return %arg0, %c0_i32 : i32, i32
  }
  func.func @transform_1(%arg0: i32) -> (i32, i32) {
    %c0_i32 = arith.constant 0 : i32
    %c0_i32_0 = arith.constant 0 : i32
    %c0_i32_1 = arith.constant 0 : i32
    return %c0_i32, %c0_i32_0 : i32, i32
  }
  func.func @transform_2(%arg0: i32) -> (i32, i32) {
    %c0_i32 = arith.constant 0 : i32
    %c0_i32_0 = arith.constant 0 : i32
    %c0_i32_1 = arith.constant 0 : i32
    return %c0_i32, %c0_i32_0 : i32, i32
  }
  func.func @transform_3(%arg0: i32) -> (i32, i32) {
    %c0_i32 = arith.constant 0 : i32
    %c0_i32_0 = arith.constant 0 : i32
    %c0_i32_1 = arith.constant 0 : i32
    return %c0_i32, %c0_i32_0 : i32, i32
  }
  func.func @transform_4(%arg0: i32) -> (i32, i32) {
    %c0_i32 = arith.constant 0 : i32
    %c0_i32_0 = arith.constant 0 : i32
    return %c0_i32, %arg0 : i32, i32
  }
}

</mosaic_0001>

<sc_bundles>
// kernel: kernel.4.cloned.1.call-start
scs
__scs_entry_jumppad:
0x0: {  	(pc) =	sbr.rel $0x88, $3  }
0x1: {  	(tag) =	ssettag $0x0;
	lr =	simm.s32 $0x1  }
0x2: {  	[smem:$0x3F9D] =	sst lr;
	_ =	strace $0xD0000000  }
0x3: {  	_ = 	snop  }
0x4: {  	_ = 	snop  }
0x5: {  	_ = 	snop  }
0x6: {  	_ = 	snop  }
0x7: {  	_ = 	snop  }
__scs_overlays_trampoline_lowered:
0x8: {  	[smem:$0x3FAC] =	sst s0  }
0x9: {  	[smem:$0x3FAD] =	sst s1  }
0xa: {  	[smem:$0x3FAE] =	sst s2  }
0xb: {  	[smem:$0x3FAF] =	sst s3  }
0xc: {  	[smem:$0x3FB0] =	sst s4  }
0xd: {  	[smem:$0x3FB1] =	sst s5  }
0xe: {  	[smem:$0x3FB2] =	sst s6  }
0xf: {  	[smem:$0x3FB3] =	sst s7  }
0x10: {  	[smem:$0x3FB4] =	sst s8  }
0x11: {  	[smem:$0x3FB5] =	sst s9;
	s0 =	simm.s32 @!p0 $0x0  }
0x12: {  	s1 =	sld [smem:$0x3F9B];
	s0 =	simm.s32 @p0 $0x1  }
0x13: {  	[smem:$0x3FB6] =	sst s0;
	s0 =	simm.s32 @!p1 $0x0  }
0x14: {  	s2 =	sld [smem:$0x3F9A];
	s0 =	simm.s32 @p1 $0x1  }
0x15: {  	[smem:$0x3FB7] =	sst s0;
	s0 =	simm.s32 @!p2 $0x0  }
0x16: {  	s3 =	sld [smem:$0x3FDB];
	s0 =	simm.s32 @p2 $0x1  }
0x17: {  	s4 =	simm.s32 $0x1BF5;
	[smem:$0x3FB9] =	sst s0  }
0x18: {  	s0 =	sld [smem:$0x3F9C];
	_ =	swait.ge [sflag:s4], $0x0  }
0x19: {  	s7 =	sld [smem:$0x3F9D]  }
0x1a: {  	s8 =	sadd.s32 $0xFFFFE003, lr  }
0x1b: {  	s9 =	sadd.s32 $0xFFFFFEF7, lr;
	s5 =	simm.s32 $0xFFFFFFFF;
	p2 =	slt.u32 s8, $0xFFFFF086  }
0x1c: {  	p1 =	slt.u32 s9, $0xF7A;
	s5 =	simm.s32 @!p2 $0x0  }
0x1d: {  	s5 =	simm.s32 @p1 $0x1;
	p0 =	seq.s32 s7, s2  }
0x1e: {  	s7 =	smul.u32 @!p0 $0xF7A, s2;
	p2 =	seq.s32 @!p0 s5, $0x0  }
0x1f: {  	s9 =	smul.u32 $0xF7A, s1;
	s8 =	simm.s32 @!p0 $0x1BF5;
	p2 =	por !p2, p0  }
0x20: {  	[sflag:s8] =	ssyncset.s32 @!p0 $0xFFFFF086;
	s6 =	sadd.s32 @!p0 s3, s7;
	s7 =	simm.s32 @!p0 $0x108  }
0x21: {  	s3 =	sadd.s32 s3, s9;
	s6 =	sadd.s32 @!p0 $0x88, s6;
	s7 =	simm.s32 @p2 $0x1082  }
0x22: {  	[simem:s7], [sflag:s8] =	dma.local @!p0 [hbm:s6], $0xF7A  }
0x23: {  	s9 =	sor.u32 $0xD0000000, s2;
	s6 =	simm.s32 $0x108;
	_ =	swait.ge @!p0 [sflag:s8], $0x0  }
0x24: {  	s3 =	sadd.s32 $0x88, s3;
	s6 =	simm.s32 @!p1 $0x1082;
	[sflag:s4] =	ssyncset.s32 $0xFFFFF086  }
0x25: {  	[simem:s6], [sflag:s4] =	dma.local [hbm:s3], $0xF7A  }
0x26: {  	[smem:$0x3F9D] =	sst s1;
	(tag) =	ssettag s2;
	_ =	strace s9  }
0x27: {  	s1 =	sld [smem:$0x3FAD]  }
0x28: {  	s2 =	sld [smem:$0x3FAE]  }
0x29: {  	s4 =	sld [smem:$0x3FB0]  }
0x2a: {  	p0 =	seq.s32 s5, $0x0;
	s5 =	sld [smem:$0x3FB1]  }
0x2b: {  	s6 =	sld [smem:$0x3FB2]  }
0x2c: {  	s7 =	sld [smem:$0x3FB3]  }
0x2d: {  	s3 =	simm.s32 $0x108;
	s8 =	sld [smem:$0x3FB4]  }
0x2e: {  	s3 =	simm.s32 @!p0 $0x1082;
	s9 =	sld [smem:$0x3FB5]  }
0x2f: {  	lr =	sadd.s32 s0, s3;
	s0 =	sld [smem:$0x3FAC]  }
0x30: {  	s3 =	sld [smem:$0x3FAF]  }
0x31: {  	[smem:$0x3FB8] =	sst s10  }
0x32: {  	s10 =	sld [smem:$0x3FB6];
	_ =	sdelay $0x3  }
0x33: {  	p0 =	seq.s32 s10, $0x1;
	s10 =	sld [smem:$0x3FB8];
	_ =	sdelay $0x3  }
0x34: {  	[smem:$0x3FB8] =	sst s10  }
0x35: {  	s10 =	sld [smem:$0x3FB7];
	_ =	sdelay $0x3  }
0x36: {  	p1 =	seq.s32 s10, $0x1;
	s10 =	sld [smem:$0x3FB8];
	_ =	sdelay $0x3  }
0x37: {  	[smem:$0x3FB8] =	sst s10  }
0x38: {  	s10 =	sld [smem:$0x3FB9]  }
0x39: {  	_ = 	snop;
	(pc) =	sbr.ind lr, $3  }
0x3a: {  	_ = 	snop  }
0x3b: {  	_ = 	snop  }
0x3c: {  	p2 =	seq.s32 s10, $0x1;
	s10 =	sld [smem:$0x3FB8]  }
0x3d: {  	_ =	shalt  }
0x3e: {  	_ =	shalt  }
0x3f: {  	_ =	shalt  }
0x40: {  	_ =	shalt  }
0x41: {  	_ =	shalt  }
0x42: {  	_ =	shalt  }
0x43: {  	_ =	shalt  }
0x44: {  	_ =	shalt  }
0x45: {  	_ =	shalt  }
0x46: {  	_ =	shalt  }
0x47: {  	_ =	shalt  }
0x48: {  	_ =	shalt  }
0x49: {  	_ =	shalt  }
0x4a: {  	_ =	shalt  }
0x4b: {  	_ =	shalt  }
0x4c: {  	_ =	shalt  }
0x4d: {  	_ =	shalt  }
0x4e: {  	_ =	shalt  }
0x4f: {  	_ =	shalt  }
0x50: {  	_ =	shalt  }
0x51: {  	_ =	shalt  }
0x52: {  	_ =	shalt  }
0x53: {  	_ =	shalt  }
0x54: {  	_ =	shalt  }
0x55: {  	_ =	shalt  }
0x56: {  	_ =	shalt  }
0x57: {  	_ =	shalt  }
0x58: {  	_ =	shalt  }
0x59: {  	_ =	shalt  }
0x5a: {  	_ =	shalt  }
0x5b: {  	_ =	shalt  }
0x5c: {  	_ =	shalt  }
0x5d: {  	_ =	shalt  }
0x5e: {  	_ =	shalt  }
0x5f: {  	_ =	shalt  }
0x60: {  	_ =	shalt  }
0x61: {  	_ =	shalt  }
0x62: {  	_ =	shalt  }
0x63: {  	_ =	shalt  }
0x64: {  	_ =	shalt  }
0x65: {  	_ =	shalt  }
0x66: {  	_ =	shalt  }
0x67: {  	_ =	shalt  }
0x68: {  	_ =	shalt  }
0x69: {  	_ =	shalt  }
0x6a: {  	_ =	shalt  }
0x6b: {  	_ =	shalt  }
0x6c: {  	_ =	shalt  }
0x6d: {  	_ =	shalt  }
0x6e: {  	_ =	shalt  }
0x6f: {  	_ =	shalt  }
0x70: {  	_ =	shalt  }
0x71: {  	_ =	shalt  }
0x72: {  	_ =	shalt  }
0x73: {  	_ =	shalt  }
0x74: {  	_ =	shalt  }
0x75: {  	_ =	shalt  }
0x76: {  	_ =	shalt  }
0x77: {  	_ =	shalt  }
0x78: {  	_ =	shalt  }
0x79: {  	_ =	shalt  }
0x7a: {  	_ =	shalt  }
0x7b: {  	_ =	shalt  }
0x7c: {  	_ =	shalt  }
0x7d: {  	_ =	shalt  }
0x7e: {  	_ =	shalt  }
0x7f: {  	_ =	shalt  }
0x80: {  	_ =	shalt  }
0x81: {  	_ =	shalt  }
0x82: {  	_ =	shalt  }
0x83: {  	_ =	shalt  }
0x84: {  	_ =	shalt  }
0x85: {  	_ =	shalt  }
0x86: {  	_ =	shalt  }
0x87: {  	_ =	shalt  }
.Lfunc_end0:
.L_simem_size_0:
called_computation_lowered:
.L_overlay_start_0:
0x88: {  	s2 =	sld [smem:$0x3FD9]  }
0x89: {  	s3 =	sld [smem:$0x3FFE];
	_ =	sdelay $0x1  }
0x8a: {  	s1 =	srdreg.scid  }
0x8b: {  	s0 =	sand.u32 $0x1, s1  }
0x8c: {  	s17 =	sshll.u32 s0, $0xA;
	s2 =	sadd.s32 s3, s2  }
0x8d: {  	s2 =	sadd.s32 s2, s17  }
0x8e: {  	[smem:$0x3FC4] =	sst s2  }
0x8f: {  	_ = 	snop  }
0x90: {  	s2 =	sld [smem:$0x3FC9];
	(tm) =	ssettm $0x1  }
0x91: {  	s18 =	sld [smem:$0x3FFB];
	_ =	sdelay $0x3  }
0x92: {  	_ =	strace s18  }
0x93: {  	s3 =	sld [smem:$0x3FFC];
	_ =	sdelay $0x3  }
0x94: {  	_ =	strace s3  }
0x95: {  	s3 =	sld [smem:$0x3FFD];
	_ =	sdelay $0x3  }
0x96: {  	_ =	strace s3  }
0x97: {  	_ =	strace $0x8FFFFFFF  }
0x98: {  	s19 =	sld [smem:$0x3FDB];
	_ =	sdelay $0x1  }
0x99: {  	s4 =	simm.s32 $_scs_section_size  }
0x9a: {  	s5 =	simm.s32 $_size__tile_overlayer_lowered;
	s6 =	simm.s32 $_tile_overlayer_lowered  }
0x9b: {  	s22 =	simm.s32 $0x1BFF;
	s21 =	sshll.u32 s6, $0x1;
	s3 =	sadd.s32 s4, s19  }
0x9c: {  	s7 =	simm.s32 $0x0;
	s20 =	sshll.u32 s5, $0x1;
	s5 =	sadd.s32 s21, s3  }
0x9d: {  	[timem:s7], [sflag:s22] =	dma.local [hbm:s5], s20  }
0x9e: {  	_ =	swait.ge [sflag:s22], s20  }
0x9f: {  	s4 =	ssub.s32 $0x0, s20;
	[sflag:s22] =	ssyncset.done $0x0  }
0xa0: {  	[sflag:s22] =	ssyncadd.s32 s4;
	_ =	sdelay $0x1  }
0xa1: {  	s23 =	simm.s32 $0x1B8B  }
0xa2: {  	_ =	swait.ge [sflag:s23], $0x1  }
0xa3: {  	[sflag:s23] =	ssyncset.done $0x0  }
0xa4: {  	s25 =	simm.s32 $0x1B8E;
	s24 =	sld [smem:$0x3FFE];
	[sflag:s23] =	ssyncadd.s32 $0xFFFFFFFF  }
0xa5: {  	s26 =	simm.s32 $execute0_lowered;
	[smem:$0x3FD2] =	sst s25  }
0xa6: {  	s5 =	sshll.u32 s26, $0x1;
	_ =	strace $0x80000046;
	[dreg:$0x1] =	wrdreg $0xFFFFFFFF  }
0xa7: {  	s28 =	simm.s32 $_size_execute0_lowered;
	s3 =	sadd.s32 s3, s5;
	[dreg:$0x0] =	wrdreg $0x0  }
0xa8: {  	s5 =	sshll.u32 s28, $0x1;
	[dreg:$0x2] =	wrdreg s3  }
0xa9: {  	[dreg:$0x3] =	wrdreg s5  }
0xaa: {  	[dreg:$0x4] =	wrdreg $0xC0  }
0xab: {  	_ =	task [dreg:s7], $0x5FFFF  }
0xac: {  	[dreg:$0x1] =	wrdreg $0xFFFFFFFF  }
0xad: {  	[dreg:$0x0] =	wrdreg $0x60  }
0xae: {  	[dreg:$0x2] =	wrdreg s2  }
0xaf: {  	[dreg:$0x3] =	wrdreg s24  }
0xb0: {  	[dreg:$0x4] =	wrdreg $0x9  }
0xb1: {  	_ =	task.clear_ibuf [dreg:s7], $0x5FFFF;
	_ =	strace $0x90000046  }
0xb2: {  	s29 =	simm.s32 $0x9;
	_ =	strace $0x80000048  }
0xb3: {  	_ =	swait.ge [sflag:s29], $0x1  }
0xb4: {  	[sflag:s29] =	ssyncadd.s32 $0xFFFFFFFF  }
0xb5: {  	_ =	strace $0x90000048  }
0xb6: {  	_ =	sfence  }
0xb7: {  	s30 =	sld [smem:$0x0];
	_ =	sdelay $0x2  }
0xb8: {  	s31 =	sshll.u32 s1, $0xD;
	s1 =	sshrl.u32 s1, $0x2  }
0xb9: {  	s3 =	sand.u32 $0x4000, s31;
	s1 =	sadd.s32 s1, s30  }
0xba: {  	s0 =	sor.u32 s3, s0;
	s1 =	sshll.u32 s1, $0x11  }
0xbb: {  	s0 =	sor.u32 s1, s0  }
0xbc: {  	s0 =	sadd.s32 $0x8F2B, s0  }
0xbd: {  	[sflag:s0] =	ssyncadd.remote.s32 $0x1  }
0xbe: {  	_ =	sfence.sel $0xFFFF  }
0xbf: {  	[dreg:$0x0] =	wrdreg $0xFFFFFFFF;
	(pc) =	sbr.abs _section_cstart, $3  }
0xc0: {  	[dreg:$0x1] =	wrdreg $0xFFFFFFFF  }
0xc1: {  	_ =	task.clear_ibuf [dreg:s7], $0x2FFFF;
	_ =	strace $0x9FFFFFFF  }
0xc2: {  	(tm) =	ssettm $0x7FFFFFFF  }
0xc3: {  	_ =	shalt  }
tec
execute0_lowered:
.L_overlay_start_1:
0x0: {  	(tag) =	ssettag $0x1  }
0x1: {  	v0 =	vimm.s32 $0x0  }
0x2: {  	v1 =	vimm.s32 $0xB80;
	vm10 =	vcmask $0x300;
	v2 =	vimm.s32 $0x1B80  }
0x3: {  	vm11 =	vcmask $0x704;
	vm12 =	vcmask $0xB08;
	vm13 =	vcmask $0xF0C  }
0x4: {  	vm14 =	vcmask $0x1310;
	vm9 =	vcmask $0x1714;
	vm8 =	vcmask $0x1B18  }
0x5: {  	vm7 =	vcmask $0x1F1C;
	vm6 =	vcmask $0x2320;
	vm5 =	vcmask $0x2724  }
0x6: {  	vm4 =	vcmask $0x2B28;
	vm3 =	vcmask $0x2F2C;
	vm2 =	vcmask $0x3330  }
0x7: {  	vm0 =	vcmask $0x3734;
	vm1 =	vcmask $0x3B38;
	v5 =	vimm.s32 $0x3B80  }
0x8: {  	v6 =	vimm.s32 $0x4B80;
	v7 =	vimm.s32 $0x5B80;
	v8 =	vimm.s32 $0x6B80  }
0x9: {  	v9 =	vimm.s32 $0x7B80;
	v1 =	vsel vm10, $0x0, v1;
	v2 =	vsel vm10, $0x1000, v2  }
0xa: {  	v5 =	vsel vm10, $0x3000, v5;
	v6 =	vsel vm10, $0x4000, v6;
	v7 =	vsel vm10, $0x5000, v7  }
0xb: {  	v8 =	vsel vm10, $0x6000, v8;
	v9 =	vsel vm10, $0x7000, v9;
	v1 =	vsel vm11, $0x80, v1  }
0xc: {  	v2 =	vsel vm11, $0x1080, v2;
	v5 =	vsel vm11, $0x3080, v5;
	v6 =	vsel vm11, $0x4080, v6  }
0xd: {  	v7 =	vsel vm11, $0x5080, v7;
	v8 =	vsel vm11, $0x6080, v8;
	v9 =	vsel vm11, $0x7080, v9  }
0xe: {  	v1 =	vsel vm12, $0x100, v1;
	v2 =	vsel vm12, $0x1100, v2;
	v5 =	vsel vm12, $0x3100, v5  }
0xf: {  	v6 =	vsel vm12, $0x4100, v6;
	v7 =	vsel vm12, $0x5100, v7;
	v8 =	vsel vm12, $0x6100, v8  }
0x10: {  	v9 =	vsel vm12, $0x7100, v9;
	v1 =	vsel vm13, $0x180, v1;
	v2 =	vsel vm13, $0x1180, v2  }
0x11: {  	v5 =	vsel vm13, $0x3180, v5;
	v6 =	vsel vm13, $0x4180, v6;
	v7 =	vsel vm13, $0x5180, v7  }
0x12: {  	v8 =	vsel vm13, $0x6180, v8;
	v9 =	vsel vm13, $0x7180, v9;
	v1 =	vsel vm14, $0x200, v1  }
0x13: {  	v2 =	vsel vm14, $0x1200, v2;
	v5 =	vsel vm14, $0x3200, v5;
	v6 =	vsel vm14, $0x4200, v6  }
0x14: {  	v7 =	vsel vm14, $0x5200, v7;
	v8 =	vsel vm14, $0x6200, v8;
	v9 =	vsel vm14, $0x7200, v9  }
0x15: {  	v1 =	vsel vm9, $0x280, v1;
	v2 =	vsel vm9, $0x1280, v2;
	v5 =	vsel vm9, $0x3280, v5  }
0x16: {  	v6 =	vsel vm9, $0x4280, v6;
	v7 =	vsel vm9, $0x5280, v7;
	v8 =	vsel vm9, $0x6280, v8  }
0x17: {  	v9 =	vsel vm9, $0x7280, v9;
	v1 =	vsel vm8, $0x300, v1;
	v2 =	vsel vm8, $0x1300, v2  }
0x18: {  	v5 =	vsel vm8, $0x3300, v5;
	v6 =	vsel vm8, $0x4300, v6;
	v7 =	vsel vm8, $0x5300, v7  }
0x19: {  	v8 =	vsel vm8, $0x6300, v8;
	v9 =	vsel vm8, $0x7300, v9;
	v1 =	vsel vm7, $0x380, v1  }
0x1a: {  	v2 =	vsel vm7, $0x1380, v2;
	v5 =	vsel vm7, $0x3380, v5;
	v6 =	vsel vm7, $0x4380, v6  }
0x1b: {  	v7 =	vsel vm7, $0x5380, v7;
	v8 =	vsel vm7, $0x6380, v8;
	v9 =	vsel vm7, $0x7380, v9  }
0x1c: {  	v1 =	vsel vm6, $0x800, v1;
	v2 =	vsel vm6, $0x1800, v2;
	v5 =	vsel vm6, $0x3800, v5  }
0x1d: {  	v6 =	vsel vm6, $0x4800, v6;
	v1 =	vsel vm5, $0x880, v1;
	v2 =	vsel vm5, $0x1880, v2  }
0x1e: {  	v7 =	vsel vm6, $0x5800, v7;
	v1 =	vsel vm4, $0x900, v1;
	v2 =	vsel vm4, $0x1900, v2  }
0x1f: {  	v8 =	vsel vm6, $0x6800, v8;
	v1 =	vsel vm3, $0x980, v1;
	v2 =	vsel vm3, $0x1980, v2  }
0x20: {  	v9 =	vsel vm6, $0x7800, v9;
	v1 =	vsel vm2, $0xA00, v1;
	v2 =	vsel vm2, $0x1A00, v2  }
0x21: {  	v5 =	vsel vm5, $0x3880, v5;
	v3 =	vsel vm0, $0xA80, v1;
	v4 =	vsel vm0, $0x1A80, v2  }
0x22: {  	v2 =	vsel vm1, $0xB00, v3;
	v3 =	vsel vm1, $0x1B00, v4;
	v4 =	vimm.s32 $0x2B80  }
0x23: {  	v6 =	vsel vm5, $0x4880, v6;
	v7 =	vsel vm5, $0x5880, v7;
	v4 =	vsel vm10, $0x2000, v4  }
0x24: {  	v8 =	vsel vm5, $0x6880, v8;
	v9 =	vsel vm5, $0x7880, v9;
	v4 =	vsel vm11, $0x2080, v4  }
0x25: {  	v5 =	vsel vm4, $0x3900, v5;
	v6 =	vsel vm4, $0x4900, v6;
	v4 =	vsel vm12, $0x2100, v4  }
0x26: {  	v7 =	vsel vm4, $0x5900, v7;
	v8 =	vsel vm4, $0x6900, v8;
	v4 =	vsel vm13, $0x2180, v4  }
0x27: {  	v9 =	vsel vm4, $0x7900, v9;
	v5 =	vsel vm3, $0x3980, v5;
	v4 =	vsel vm14, $0x2200, v4  }
0x28: {  	s1 =	srdreg.scid;
	s3 =	rddreg [dreg:$0x0];
	v6 =	vsel vm3, $0x4980, v6;
	v7 =	vsel vm3, $0x5980, v7;
	v4 =	vsel vm9, $0x2280, v4  }
0x29: {  	s0 =	stileid.u32;
	s5 =	rddreg [dreg:$0x1];
	v8 =	vsel vm3, $0x6980, v8;
	v9 =	vsel vm3, $0x7980, v9;
	v4 =	vsel vm8, $0x2300, v4  }
0x2a: {  	s2 =	simm.s32 $0x0;
	s8 =	simm.s32 $0x8000;
	s9 =	simm.s32 $0x1;
	v5 =	vsel vm2, $0x3A00, v5;
	v6 =	vsel vm2, $0x4A00, v6;
	v4 =	vsel vm7, $0x2380, v4  }
0x2b: {  	s10 =	simm.s32 $0x6400;
	s11 =	simm.s32 $0xA400;
	s4 =	sand.u32 $0x1, s1;
	v7 =	vsel vm2, $0x5A00, v7;
	v8 =	vsel vm2, $0x6A00, v8;
	v4 =	vsel vm6, $0x2800, v4  }
0x2c: {  	s12 =	simm.s32 $0x2;
	s6 =	sshll.u32 s0, $0x8;
	s7 =	sshll.u32 s4, $0x7;
	v9 =	vsel vm2, $0x7A00, v9;
	v1 =	vimm.s32 $0x1;
	v4 =	vsel vm5, $0x2880, v4  }
0x2d: {  	s13 =	simm.s32 $0x0;
	s1 =	rddreg [dreg:$0x2];
	s6 =	sor.u32 s7, s6;
	v5 =	vsel vm0, $0x3A80, v5;
	v6 =	vsel vm0, $0x4A80, v6;
	v4 =	vsel vm4, $0x2900, v4  }
0x2e: {  	[smem:$0x7FF] =	sst s2;
	s4 =	ssub.s32 $0x2, s4;
	s7 =	sshll.u32 s6, $0x5;
	v7 =	vsel vm0, $0x5A80, v7;
	v8 =	vsel vm0, $0x6A80, v8;
	v4 =	vsel vm3, $0x2980, v4  }
0x2f: {  	_ =	strace $0x80000047;
	s31 =	sshrl.u32 s4, $0x1;
	s5 =	sadd.s32 s7, s5;
	v9 =	vsel vm0, $0x7A80, v9;
	v5 =	vsel vm1, $0x3B00, v5;
	v4 =	vsel vm2, $0x2A00, v4  }
0x30: {  	s3 =	sadd.s32 s3, s6;
	s7 =	ssub.s32 s4, s31;
	s4 =	sadd.s32 $0xC00, s5;
	v6 =	vsel vm1, $0x4B00, v6;
	v7 =	vsel vm1, $0x5B00, v7;
	v4 =	vsel vm0, $0x2A80, v4  }
0x31: {  	s5 =	sadd.s32 $0x1400, s5;
	s6 =	smax.u32 s7, $0x1;
	s7 =	simm.s32 $0x400;
	v8 =	vsel vm1, $0x6B00, v8;
	v9 =	vsel vm1, $0x7B00, v9;
	v4 =	vsel vm1, $0x2B00, v4  }
.LBB2_1:
0x32: {  	[tilespmem:s2], [sflag:$0x1] =	stream.strided.gather [hbm4b:s3+s7], $0x6400, s8, s7, $0x38;
	[tilespmem:$0xE400] =	vst v63  }
0x33: {  	s14 =	sand.u32 $0x7800, s2;
	s15 =	sand.u32 $0x300, s2  }
0x34: {  	s14 =	sor.u32 s15, s14  }
0x35: {  	[tilespmem:s14+$0x68F0] =	vst v0  }
0x36: {  	[tilespmem:s14+$0x6400] =	vst v0  }
0x37: {  	[tilespmem:s14+$0x6410] =	vst v0  }
0x38: {  	[tilespmem:s14+$0x6420] =	vst v0  }
0x39: {  	[tilespmem:s14+$0x6430] =	vst v0  }
0x3a: {  	[tilespmem:s14+$0x6440] =	vst v0  }
0x3b: {  	[tilespmem:s14+$0x6450] =	vst v0  }
0x3c: {  	[tilespmem:s14+$0x6460] =	vst v0  }
0x3d: {  	[tilespmem:s14+$0x6470] =	vst v0  }
0x3e: {  	[tilespmem:s14+$0x6800] =	vst v0  }
0x3f: {  	[tilespmem:s14+$0x6810] =	vst v0  }
0x40: {  	[tilespmem:s14+$0x6820] =	vst v0  }
0x41: {  	[tilespmem:s14+$0x6830] =	vst v0  }
0x42: {  	[tilespmem:s14+$0x6840] =	vst v0  }
0x43: {  	[tilespmem:s14+$0x6850] =	vst v0  }
0x44: {  	[tilespmem:s14+$0x6860] =	vst v0  }
0x45: {  	[tilespmem:s14+$0x6870] =	vst v0  }
0x46: {  	[tilespmem:s14+$0x6480] =	vst v0  }
0x47: {  	[tilespmem:s14+$0x6490] =	vst v0  }
0x48: {  	[tilespmem:s14+$0x64A0] =	vst v0  }
0x49: {  	[tilespmem:s14+$0x64B0] =	vst v0  }
0x4a: {  	[tilespmem:s14+$0x64C0] =	vst v0  }
0x4b: {  	[tilespmem:s14+$0x64D0] =	vst v0  }
0x4c: {  	[tilespmem:s14+$0x64E0] =	vst v0  }
0x4d: {  	[tilespmem:s14+$0x64F0] =	vst v0  }
0x4e: {  	[tilespmem:s14+$0x6880] =	vst v0  }
0x4f: {  	[tilespmem:s14+$0x6890] =	vst v0  }
0x50: {  	[tilespmem:s14+$0x68A0] =	vst v0  }
0x51: {  	[tilespmem:s14+$0x68B0] =	vst v0  }
0x52: {  	s16 =	simm.s32 $0x100;
	s17 =	simm.s32 $0x200;
	s15 =	simm.s32 $0x0;
	[tilespmem:s14+$0x68C0] =	vst v0  }
.LBB2_2:
0x53: {  	s18 =	sand.u32 $0x7800, s17;
	s19 =	sand.u32 $0x300, s16;
	s15 =	sadd.s32 $0x2, s15;
	[tilespmem:s14+$0x68D0] =	vst v0  }
0x54: {  	p0 =	slt.u32 s15, $0x7E;
	[tilespmem:s14+$0x68E0] =	vst v0;
	s14 =	sor.u32 s19, s18  }
0x55: {  	[tilespmem:s14+$0x68F0] =	vst v0  }
0x56: {  	[tilespmem:s14+$0x6400] =	vst v0  }
0x57: {  	[tilespmem:s14+$0x6410] =	vst v0  }
0x58: {  	[tilespmem:s14+$0x6420] =	vst v0  }
0x59: {  	[tilespmem:s14+$0x6430] =	vst v0  }
0x5a: {  	[tilespmem:s14+$0x6440] =	vst v0  }
0x5b: {  	[tilespmem:s14+$0x6450] =	vst v0  }
0x5c: {  	[tilespmem:s14+$0x6460] =	vst v0  }
0x5d: {  	[tilespmem:s14+$0x6470] =	vst v0  }
0x5e: {  	[tilespmem:s14+$0x6800] =	vst v0  }
0x5f: {  	[tilespmem:s14+$0x6810] =	vst v0  }
0x60: {  	[tilespmem:s14+$0x6820] =	vst v0  }
0x61: {  	[tilespmem:s14+$0x6830] =	vst v0  }
0x62: {  	[tilespmem:s14+$0x6840] =	vst v0  }
0x63: {  	[tilespmem:s14+$0x6850] =	vst v0  }
0x64: {  	[tilespmem:s14+$0x6860] =	vst v0  }
0x65: {  	[tilespmem:s14+$0x6870] =	vst v0  }
0x66: {  	[tilespmem:s14+$0x6480] =	vst v0  }
0x67: {  	[tilespmem:s14+$0x6490] =	vst v0  }
0x68: {  	[tilespmem:s14+$0x64A0] =	vst v0  }
0x69: {  	[tilespmem:s14+$0x64B0] =	vst v0  }
0x6a: {  	[tilespmem:s14+$0x64C0] =	vst v0  }
0x6b: {  	[tilespmem:s14+$0x64D0] =	vst v0  }
0x6c: {  	[tilespmem:s14+$0x64E0] =	vst v0  }
0x6d: {  	[tilespmem:s14+$0x64F0] =	vst v0  }
.Ltmp0:
0x6e: {  	[tilespmem:s14+$0x6880] =	vst v0;
	(pc) =	sbr.rel @p0 .LBB2_2-.Ltmp0, $4  }
0x6f: {  	[tilespmem:s14+$0x6890] =	vst v0  }
0x70: {  	[tilespmem:s14+$0x68A0] =	vst v0  }
0x71: {  	[tilespmem:s14+$0x68B0] =	vst v0  }
0x72: {  	s16 =	sadd.s32 $0x100, s16;
	s17 =	sadd.s32 $0x200, s17;
	[tilespmem:s14+$0x68C0] =	vst v0  }
0x73: {  	[tilespmem:s14+$0x68D0] =	vst v0  }
0x74: {  	[tilespmem:s14+$0x68E0] =	vst v0  }
0x75: {  	_ =	swait.ge [sflag:s9], $0x6400  }
0x76: {  	[sflag:s9] =	ssyncset.done $0x0  }
0x77: {  	s16 =	simm.s32 $0x80;
	[sflag:s9] =	ssyncadd.s32 $0xFFFF9C00  }
0x78: {  	v10 =	vld [tilespmem:s16+$0x0];
	_ =	sdelay $0x4  }
0x79: {  	v12 =	vld [tilespmem:s16+$0xFFFFFF80];
	v11 =	vshll.u32 v10, $0x3  }
0x7a: {  	v13 =	vand.u32 $0x7F, v10;
	v11 =	vand.u32 $0x400, v11  }
0x7b: {  	v11 =	vor.u32 v11, v13  }
0x7c: {  	v11 =	vor.u32 v2, v11;
	_ =	sdelay $0x1  }
0x7d: {  	v10 =	vshra.s32 v10, $0x5;
	v13 =	vshll.u32 v12, $0x3  }
0x7e: {  	v14 =	vand.u32 $0x7F, v12;
	v10 =	vand.u32 $0xFFFFFFF8, v10;
	v13 =	vand.u32 $0x400, v13  }
0x7f: {  	v10 =	vshll.u32 v1, v10;
	v13 =	vor.u32 v13, v14  }
0x80: {  	[tilespmem:v11+s10+$0x0] =	vst.idx.add.s32.msk $0xffff, v10;
	v10 =	vor.u32 v2, v13  }
0x81: {  	v11 =	vld [tilespmem:s16+$0x10]  }
0x82: {  	v12 =	vshra.s32 v12, $0x5  }
0x83: {  	v12 =	vand.u32 $0xFFFFFFF8, v12  }
0x84: {  	v12 =	vshll.u32 v1, v12  }
0x85: {  	[tilespmem:v10+s10+$0x0] =	vst.idx.add.s32.msk $0xffff, v12  }
0x86: {  	v10 =	vshll.u32 v11, $0x3;
	v12 =	vld [tilespmem:s16+$0xFFFFFF90]  }
0x87: {  	s14 =	simm.s32 $0x180;
	v13 =	vand.u32 $0x7F, v11;
	v10 =	vand.u32 $0x400, v10  }
0x88: {  	v10 =	vor.u32 v10, v13;
	v13 =	vld [tilespmem:s14+$0x0]  }
0x89: {  	v10 =	vor.u32 v3, v10;
	_ =	sdelay $0x1  }
0x8a: {  	v15 =	vld [tilespmem:s14+$0xFFFFFF80];
	v11 =	vshra.s32 v11, $0x5;
	v14 =	vshll.u32 v12, $0x3  }
0x8b: {  	v11 =	vand.u32 $0xFFFFFFF8, v11;
	v16 =	vand.u32 $0x7F, v12;
	v14 =	vand.u32 $0x400, v14  }
0x8c: {  	v11 =	vshll.u32 v1, v11;
	v14 =	vor.u32 v14, v16;
	v16 =	vshll.u32 v13, $0x3  }
0x8d: {  	[tilespmem:v10+s10+$0x0] =	vst.idx.add.s32.msk $0xffff, v11;
	v10 =	vor.u32 v3, v14;
	v11 =	vand.u32 $0x7F, v13;
	v14 =	vand.u32 $0x400, v16  }
0x8e: {  	v16 =	vld [tilespmem:s16+$0x20];
	v11 =	vor.u32 v14, v11  }
0x8f: {  	v12 =	vshra.s32 v12, $0x5;
	v14 =	vshll.u32 v15, $0x3;
	v11 =	vor.u32 v2, v11  }
0x90: {  	s15 =	simm.s32 $0x280;
	v17 =	vand.u32 $0x7F, v15;
	v12 =	vand.u32 $0xFFFFFFF8, v12;
	v14 =	vand.u32 $0x400, v14  }
0x91: {  	v19 =	vld [tilespmem:s15+$0xFFFFFF80];
	v12 =	vshll.u32 v1, v12;
	v13 =	vshra.s32 v13, $0x5;
	v14 =	vor.u32 v14, v17  }
0x92: {  	[tilespmem:v10+s10+$0x0] =	vst.idx.add.s32.msk $0xffff, v12;
	v10 =	vor.u32 v2, v14;
	v12 =	vand.u32 $0xFFFFFFF8, v13  }
0x93: {  	v13 =	vshll.u32 v16, $0x3;
	v14 =	vld [tilespmem:s16+$0xFFFFFFA0];
	v12 =	vshll.u32 v1, v12  }
0x94: {  	v15 =	vshra.s32 v15, $0x5;
	v17 =	vand.u32 $0x7F, v16;
	v13 =	vand.u32 $0x400, v13;
	[tilespmem:v11+s10+$0x0] =	vst.idx.add.s32.msk $0xffff, v12  }
0x95: {  	v12 =	vand.u32 $0xFFFFFFF8, v15;
	v11 =	vor.u32 v13, v17;
	v13 =	vld [tilespmem:s14+$0x10]  }
0x96: {  	v12 =	vshll.u32 v1, v12;
	v11 =	vor.u32 v4, v11  }
0x97: {  	[tilespmem:v10+s10+$0x0] =	vst.idx.add.s32.msk $0xffff, v12  }
0x98: {  	v20 =	vand.u32 $0x7F, v19;
	v10 =	vshra.s32 v16, $0x5;
	v12 =	vld [tilespmem:s14+$0xFFFFFF90]  }
0x99: {  	v10 =	vand.u32 $0xFFFFFFF8, v10;
	v15 =	vand.u32 $0x7F, v14;
	v16 =	vshll.u32 v14, $0x3  }
0x9a: {  	v10 =	vshll.u32 v1, v10;
	v16 =	vand.u32 $0x400, v16;
	v17 =	vshll.u32 v13, $0x3  }
0x9b: {  	[tilespmem:v11+s10+$0x0] =	vst.idx.add.s32.msk $0xffff, v10;
	v10 =	vor.u32 v16, v15;
	v11 =	vand.u32 $0x7F, v13;
	v15 =	vand.u32 $0x400, v17  }
0x9c: {  	v21 =	vshll.u32 v19, $0x3;
	v16 =	vld [tilespmem:s16+$0x30];
	v10 =	vor.u32 v4, v10;
	v11 =	vor.u32 v15, v11  }
0x9d: {  	v14 =	vshra.s32 v14, $0x5;
	v15 =	vld [tilespmem:s15+$0x0];
	v17 =	vshll.u32 v12, $0x3;
	v11 =	vor.u32 v3, v11  }
0x9e: {  	v14 =	vand.u32 $0xFFFFFFF8, v14;
	v18 =	vand.u32 $0x7F, v12;
	v17 =	vand.u32 $0x400, v17  }
0x9f: {  	v14 =	vshll.u32 v1, v14;
	v13 =	vshra.s32 v13, $0x5;
	v17 =	vor.u32 v17, v18  }
0xa0: {  	v13 =	vand.u32 $0xFFFFFFF8, v13;
	v12 =	vshra.s32 v12, $0x5;
	v17 =	vor.u32 v3, v17  }
0xa1: {  	v12 =	vand.u32 $0xFFFFFFF8, v12;
	v18 =	vshll.u32 v16, $0x3;
	[tilespmem:v10+s10+$0x0] =	vst.idx.add.s32.msk $0xffff, v14;
	v10 =	vshll.u32 v1, v13  }
0xa2: {  	v13 =	vand.u32 $0x7F, v16;
	v14 =	vand.u32 $0x400, v18;
	v18 =	vshll.u32 v15, $0x3;
	[tilespmem:v11+s10+$0x0] =	vst.idx.add.s32.msk $0xffff, v10  }
0xa3: {  	v11 =	vand.u32 $0x7F, v15;
	v10 =	vor.u32 v14, v13;
	v13 =	vand.u32 $0x400, v18;
	v14 =	vld [tilespmem:s14+$0x20]  }
0xa4: {  	v12 =	vshll.u32 v1, v12;
	v15 =	vshra.s32 v15, $0x5;
	v18 =	vld [tilespmem:s16+$0xFFFFFFB0];
	v11 =	vor.u32 v13, v11  }
0xa5: {  	v10 =	vor.u32 v5, v10;
	v13 =	vand.u32 $0x400, v21;
	v11 =	vor.u32 v2, v11;
	[tilespmem:v17+s10+$0x0] =	vst.idx.add.s32.msk $0xffff, v12  }
0xa6: {  	v12 =	vshra.s32 v16, $0x5;
	v16 =	vshra.s32 v19, $0x5;
	v13 =	vor.u32 v13, v20;
	v17 =	vld [tilespmem:s14+$0xFFFFFFA0]  }
0xa7: {  	v12 =	vand.u32 $0xFFFFFFF8, v12;
	v16 =	vand.u32 $0xFFFFFFF8, v16;
	v19 =	vor.u32 v2, v13  }
0xa8: {  	v13 =	vand.u32 $0xFFFFFFF8, v15;
	v12 =	vshll.u32 v1, v12;
	v15 =	vshll.u32 v14, $0x3  }
0xa9: {  	v13 =	vshll.u32 v1, v13;
	v61 =	vand.u32 $0x7F, v14;
	v15 =	vand.u32 $0x400, v15  }
0xaa: {  	v16 =	vshll.u32 v1, v16;
	[tilespmem:v11+s10+$0x0] =	vst.idx.add.s32.msk $0xffff, v13;
	v11 =	vor.u32 v15, v61  }
0xab: {  	v15 =	vshll.u32 v18, $0x3;
	v13 =	vld [tilespmem:s15+$0x10];
	v62 =	vand.u32 $0x7F, v17;
	v11 =	vor.u32 v4, v11  }
0xac: {  	[tilespmem:v10+s10+$0x0] =	vst.idx.add.s32.msk $0xffff, v12;
	v63 =	vshll.u32 v17, $0x3;
	v17 =	vshra.s32 v17, $0x5;
	v22 =	vand.u32 $0x400, v15  }
0xad: {  	[tilespmem:v19+s10+$0x0] =	vst.idx.add.s32.msk $0xffff, v16;
	v21 =	vand.u32 $0x400, v63;
	v15 =	vand.u32 $0xFFFFFFF8, v17;
	v17 =	vshra.s32 v14, $0x5  }
0xae: {  	v16 =	vld [tilespmem:s15+$0xFFFFFF90];
	v10 =	vor.u32 v21, v62;
	v14 =	vshll.u32 v1, v15;
	v12 =	vand.u32 $0xFFFFFFF8, v17  }
0xaf: {  	v15 =	vor.u32 v4, v10;
	v10 =	vshll.u32 v1, v12;
	v12 =	vshra.s32 v18, $0x5  }
0xb0: {  	v17 =	vand.u32 $0x7F, v18;
	v12 =	vand.u32 $0xFFFFFFF8, v12;
	v18 =	vshll.u32 v13, $0x3;
	[tilespmem:v11+s10+$0x0] =	vst.idx.add.s32.msk $0xffff, v10  }
0xb1: {  	v11 =	vor.u32 v22, v17;
	v17 =	vand.u32 $0x7F, v13;
	v18 =	vand.u32 $0x400, v18;
	v10 =	vld [tilespmem:s14+$0x30]  }
0xb2: {  	s17 =	simm.s32 $0x380;
	s16 =	simm.s32 $0x4;
	v12 =	vshll.u32 v1, v12;
	v11 =	vor.u32 v5, v11;
	v17 =	vor.u32 v18, v17  }
.LBB2_4:
0xb3: {  	v18 =	vld [tilespmem:s17+$0x0];
	s16 =	sadd.s32 $0x2, s16;
	v19 =	vand.u32 $0x7F, v16;
	v20 =	vshll.u32 v16, $0x3;
	v17 =	vor.u32 v3, v17  }
0xb4: {  	v16 =	vshra.s32 v16, $0x5;
	v21 =	vld [tilespmem:s17+$0xFFFFFF80];
	p0 =	slt.u32 s16, $0xC6;
	v20 =	vand.u32 $0x400, v20  }
0xb5: {  	v13 =	vshra.s32 v13, $0x5;
	v16 =	vand.u32 $0xFFFFFFF8, v16;
	v19 =	vor.u32 v20, v19;
	[tilespmem:v15+s10+$0x0] =	vst.idx.add.s32.msk $0xffff, v14  }
0xb6: {  	v13 =	vand.u32 $0xFFFFFFF8, v13;
	v14 =	vor.u32 v3, v19;
	v19 =	vld [tilespmem:s14+$0xFFFFFFB0];
	v15 =	vshll.u32 v10, $0x3;
	s14 =	smov.u32 s15;
	s15 =	smov.u32 s17  }
0xb7: {  	v13 =	vshll.u32 v1, v13;
	v20 =	vand.u32 $0x7F, v10;
	v15 =	vand.u32 $0x400, v15;
	[tilespmem:v11+s10+$0x0] =	vst.idx.add.s32.msk $0xffff, v12  }
0xb8: {  	v12 =	vshll.u32 v1, v16;
	v11 =	vshll.u32 v18, $0x3;
	[tilespmem:v17+s10+$0x0] =	vst.idx.add.s32.msk $0xffff, v13;
	v13 =	vor.u32 v15, v20  }
0xb9: {  	v15 =	vand.u32 $0x7F, v18;
	v11 =	vand.u32 $0x400, v11;
	v16 =	vld [tilespmem:s14+$0x20];
	v13 =	vor.u32 v5, v13  }
0xba: {  	v17 =	vand.u32 $0x7F, v21;
	v20 =	vshll.u32 v21, $0x3;
	v11 =	vor.u32 v11, v15  }
0xbb: {  	v10 =	vshra.s32 v10, $0x5;
	v15 =	vand.u32 $0x400, v20;
	v11 =	vor.u32 v2, v11;
	[tilespmem:v14+s10+$0x0] =	vst.idx.add.s32.msk $0xffff, v12  }
0xbc: {  	v10 =	vand.u32 $0xFFFFFFF8, v10;
	v12 =	vshra.s32 v21, $0x5;
	v14 =	vor.u32 v15, v17;
	v15 =	vld [tilespmem:s14+$0xFFFFFFA0]  }
0xbd: {  	v10 =	vshll.u32 v1, v10;
	v17 =	vshra.s32 v18, $0x5;
	v12 =	vand.u32 $0xFFFFFFF8, v12  }
0xbe: {  	v14 =	vor.u32 v2, v14;
	v17 =	vand.u32 $0xFFFFFFF8, v17;
	v18 =	vshll.u32 v16, $0x3;
	[tilespmem:v13+s10+$0x0] =	vst.idx.add.s32.msk $0xffff, v10  }
0xbf: {  	v10 =	vshll.u32 v1, v17;
	v13 =	vand.u32 $0x7F, v16;
	v17 =	vand.u32 $0x400, v18  }
0xc0: {  	v12 =	vshll.u32 v1, v12;
	[tilespmem:v11+s10+$0x0] =	vst.idx.add.s32.msk $0xffff, v10;
	v10 =	vor.u32 v17, v13;
	v11 =	vshll.u32 v19, $0x3  }
0xc1: {  	v13 =	vld [tilespmem:s17+$0x10];
	v17 =	vand.u32 $0x7F, v15;
	v18 =	vshll.u32 v15, $0x3;
	v10 =	vor.u32 v4, v10  }
0xc2: {  	v15 =	vshra.s32 v15, $0x5;
	v11 =	vand.u32 $0x400, v11;
	v18 =	vand.u32 $0x400, v18  }
0xc3: {  	[tilespmem:v14+s10+$0x0] =	vst.idx.add.s32.msk $0xffff, v12;
	v12 =	vand.u32 $0xFFFFFFF8, v15;
	v15 =	vor.u32 v18, v17;
	v17 =	vshra.s32 v16, $0x5  }
.Ltmp1:
0xc4: {  	v16 =	vld [tilespmem:s17+$0xFFFFFF90];
	v14 =	vshll.u32 v1, v12;
	v15 =	vor.u32 v4, v15;
	v12 =	vand.u32 $0xFFFFFFF8, v17;
	(pc) =	sbr.rel @p0 .LBB2_4-.Ltmp1, $4  }
0xc5: {  	v18 =	vand.u32 $0x7F, v19;
	v17 =	vshra.s32 v19, $0x5;
	v12 =	vshll.u32 v1, v12  }
0xc6: {  	v11 =	vor.u32 v11, v18;
	v19 =	vshll.u32 v13, $0x3;
	[tilespmem:v10+s10+$0x0] =	vst.idx.add.s32.msk $0xffff, v12;
	v12 =	vand.u32 $0xFFFFFFF8, v17  }
0xc7: {  	v11 =	vor.u32 v5, v11;
	v17 =	vand.u32 $0x7F, v13;
	v18 =	vand.u32 $0x400, v19;
	v10 =	vld [tilespmem:s14+$0x30]  }
0xc8: {  	s17 =	sadd.s32 $0x100, s17;
	v12 =	vshll.u32 v1, v12;
	v17 =	vor.u32 v18, v17  }
0xc9: {  	v18 =	vshll.u32 v16, $0x3  }
0xca: {  	v19 =	vand.u32 $0x7F, v16;
	v17 =	vor.u32 v3, v17;
	v18 =	vand.u32 $0x400, v18  }
0xcb: {  	v18 =	vor.u32 v18, v19  }
0xcc: {  	v13 =	vshra.s32 v13, $0x5;
	v18 =	vor.u32 v3, v18  }
0xcd: {  	v13 =	vand.u32 $0xFFFFFFF8, v13  }
0xce: {  	v16 =	vshra.s32 v16, $0x5;
	v13 =	vshll.u32 v1, v13  }
0xcf: {  	v16 =	vand.u32 $0xFFFFFFF8, v16;
	[tilespmem:v17+s10+$0x0] =	vst.idx.add.s32.msk $0xffff, v13  }
0xd0: {  	v13 =	vshll.u32 v1, v16;
	v16 =	vld [tilespmem:s15+$0x20]  }
0xd1: {  	[tilespmem:v18+s10+$0x0] =	vst.idx.add.s32.msk $0xffff, v13  }
0xd2: {  	v13 =	vld [tilespmem:s15+$0xFFFFFFA0];
	_ =	sdelay $0x2  }
0xd3: {  	v17 =	vshll.u32 v16, $0x3  }
0xd4: {  	v18 =	vand.u32 $0x7F, v16;
	v17 =	vand.u32 $0x400, v17  }
0xd5: {  	v17 =	vor.u32 v17, v18;
	v18 =	vshll.u32 v13, $0x3  }
0xd6: {  	v19 =	vand.u32 $0x7F, v13;
	v17 =	vor.u32 v4, v17;
	v18 =	vand.u32 $0x400, v18  }
0xd7: {  	v18 =	vor.u32 v18, v19  }
0xd8: {  	v16 =	vshra.s32 v16, $0x5;
	v18 =	vor.u32 v4, v18  }
0xd9: {  	[tilespmem:v15+s10+$0x0] =	vst.idx.add.s32.msk $0xffff, v14;
	v14 =	vand.u32 $0xFFFFFFF8, v16  }
0xda: {  	v15 =	vld [tilespmem:s14+$0xFFFFFFB0];
	v14 =	vshll.u32 v1, v14;
	v13 =	vshra.s32 v13, $0x5  }
0xdb: {  	v13 =	vand.u32 $0xFFFFFFF8, v13;
	[tilespmem:v17+s10+$0x0] =	vst.idx.add.s32.msk $0xffff, v14  }
0xdc: {  	v13 =	vshll.u32 v1, v13;
	v14 =	vld [tilespmem:s15+$0x30]  }
0xdd: {  	[tilespmem:v18+s10+$0x0] =	vst.idx.add.s32.msk $0xffff, v13  }
0xde: {  	v16 =	vshll.u32 v10, $0x3;
	v13 =	vld [tilespmem:s15+$0xFFFFFFB0]  }
0xdf: {  	v16 =	vand.u32 $0x400, v16;
	v18 =	vshll.u32 v15, $0x3  }
0xe0: {  	v19 =	vand.u32 $0x7F, v15;
	v17 =	vand.u32 $0x7F, v10;
	v18 =	vand.u32 $0x400, v18  }
0xe1: {  	v16 =	vor.u32 v16, v17;
	v17 =	vor.u32 v18, v19  }
0xe2: {  	v16 =	vor.u32 v5, v16;
	v17 =	vor.u32 v5, v17;
	v18 =	vshll.u32 v14, $0x3  }
0xe3: {  	v19 =	vand.u32 $0x7F, v14;
	v18 =	vand.u32 $0x400, v18;
	v20 =	vshll.u32 v13, $0x3  }
0xe4: {  	v18 =	vor.u32 v18, v19;
	v59 =	vand.u32 $0x7F, v13;
	v19 =	vand.u32 $0x400, v20  }
0xe5: {  	v10 =	vshra.s32 v10, $0x5;
	v18 =	vor.u32 v5, v18;
	v19 =	vor.u32 v19, v59  }
0xe6: {  	v10 =	vand.u32 $0xFFFFFFF8, v10;
	v15 =	vshra.s32 v15, $0x5;
	v19 =	vor.u32 v5, v19  }
0xe7: {  	[tilespmem:v11+s10+$0x0] =	vst.idx.add.s32.msk $0xffff, v12;
	v10 =	vshll.u32 v1, v10;
	v11 =	vand.u32 $0xFFFFFFF8, v15;
	v12 =	vshra.s32 v14, $0x5  }
0xe8: {  	[tilespmem:v16+s10+$0x0] =	vst.idx.add.s32.msk $0xffff, v10;
	v10 =	vshll.u32 v1, v11;
	v11 =	vand.u32 $0xFFFFFFF8, v12;
	v12 =	vshra.s32 v13, $0x5  }
0xe9: {  	[tilespmem:v17+s10+$0x0] =	vst.idx.add.s32.msk $0xffff, v10;
	v10 =	vshll.u32 v1, v11;
	v11 =	vand.u32 $0xFFFFFFF8, v12  }
0xea: {  	[tilespmem:v18+s10+$0x0] =	vst.idx.add.s32.msk $0xffff, v10;
	v10 =	vshll.u32 v1, v11  }
0xeb: {  	s16 =	simm.s32 $0xC0;
	[tilespmem:v19+s10+$0x0] =	vst.idx.add.s32.msk $0xffff, v10  }
0xec: {  	[hbm4b:s4+s2] =	stream.linear.scatter [tilespmem:s10], [sflag:$0x1], $0x4000, $0x38;
	[tilespmem:$0xE400] =	vst v63  }
0xed: {  	v10 =	vld [tilespmem:s16+$0x0];
	_ =	sdelay $0x4  }
0xee: {  	v12 =	vld [tilespmem:s16+$0xFFFFFF80];
	v11 =	vshll.u32 v10, $0x3  }
0xef: {  	v13 =	vand.u32 $0x7F, v10;
	v11 =	vand.u32 $0x400, v11  }
0xf0: {  	v11 =	vor.u32 v11, v13  }
0xf1: {  	v11 =	vor.u32 v6, v11;
	_ =	sdelay $0x1  }
0xf2: {  	v10 =	vshra.s32 v10, $0x5;
	v13 =	vshll.u32 v12, $0x3  }
0xf3: {  	v14 =	vand.u32 $0x7F, v12;
	v10 =	vand.u32 $0xFFFFFFF8, v10;
	v13 =	vand.u32 $0x400, v13  }
0xf4: {  	v10 =	vshll.u32 v1, v10;
	v13 =	vor.u32 v13, v14  }
0xf5: {  	[tilespmem:v11+s10+$0x0] =	vst.idx.add.s32.msk $0xffff, v10;
	v10 =	vor.u32 v6, v13  }
0xf6: {  	v11 =	vld [tilespmem:s16+$0x10]  }
0xf7: {  	v12 =	vshra.s32 v12, $0x5  }
0xf8: {  	v12 =	vand.u32 $0xFFFFFFF8, v12  }
0xf9: {  	v12 =	vshll.u32 v1, v12  }
0xfa: {  	[tilespmem:v10+s10+$0x0] =	vst.idx.add.s32.msk $0xffff, v12  }
0xfb: {  	v10 =	vshll.u32 v11, $0x3;
	v12 =	vld [tilespmem:s16+$0xFFFFFF90]  }
0xfc: {  	s14 =	simm.s32 $0x1C0;
	v13 =	vand.u32 $0x7F, v11;
	v10 =	vand.u32 $0x400, v10  }
0xfd: {  	v10 =	vor.u32 v10, v13;
	v13 =	vld [tilespmem:s14+$0x0]  }
0xfe: {  	v10 =	vor.u32 v7, v10;
	_ =	sdelay $0x1  }
0xff: {  	v15 =	vld [tilespmem:s14+$0xFFFFFF80];
	v11 =	vshra.s32 v11, $0x5;
	v14 =	vshll.u32 v12, $0x3  }
0x100: {  	v11 =	vand.u32 $0xFFFFFFF8, v11;
	v16 =	vand.u32 $0x7F, v12;
	v14 =	vand.u32 $0x400, v14  }
0x101: {  	v11 =	vshll.u32 v1, v11;
	v14 =	vor.u32 v14, v16;
	v16 =	vshll.u32 v13, $0x3  }
0x102: {  	[tilespmem:v10+s10+$0x0] =	vst.idx.add.s32.msk $0xffff, v11;
	v10 =	vor.u32 v7, v14;
	v11 =	vand.u32 $0x7F, v13;
	v14 =	vand.u32 $0x400, v16  }
0x103: {  	v16 =	vld [tilespmem:s16+$0x20];
	v11 =	vor.u32 v14, v11  }
0x104: {  	v12 =	vshra.s32 v12, $0x5;
	v14 =	vshll.u32 v15, $0x3;
	v11 =	vor.u32 v6, v11  }
0x105: {  	s15 =	simm.s32 $0x2C0;
	v17 =	vand.u32 $0x7F, v15;
	v12 =	vand.u32 $0xFFFFFFF8, v12;
	v14 =	vand.u32 $0x400, v14  }
0x106: {  	v19 =	vld [tilespmem:s15+$0xFFFFFF80];
	v12 =	vshll.u32 v1, v12;
	v13 =	vshra.s32 v13, $0x5;
	v14 =	vor.u32 v14, v17  }
0x107: {  	[tilespmem:v10+s10+$0x0] =	vst.idx.add.s32.msk $0xffff, v12;
	v10 =	vor.u32 v6, v14;
	v12 =	vand.u32 $0xFFFFFFF8, v13  }
0x108: {  	v13 =	vshll.u32 v16, $0x3;
	v14 =	vld [tilespmem:s16+$0xFFFFFFA0];
	v12 =	vshll.u32 v1, v12  }
0x109: {  	v15 =	vshra.s32 v15, $0x5;
	v17 =	vand.u32 $0x7F, v16;
	v13 =	vand.u32 $0x400, v13;
	[tilespmem:v11+s10+$0x0] =	vst.idx.add.s32.msk $0xffff, v12  }
0x10a: {  	v12 =	vand.u32 $0xFFFFFFF8, v15;
	v11 =	vor.u32 v13, v17;
	v13 =	vld [tilespmem:s14+$0x10]  }
0x10b: {  	v12 =	vshll.u32 v1, v12;
	v11 =	vor.u32 v8, v11  }
0x10c: {  	[tilespmem:v10+s10+$0x0] =	vst.idx.add.s32.msk $0xffff, v12  }
0x10d: {  	v60 =	vand.u32 $0x7F, v19;
	v10 =	vshra.s32 v16, $0x5;
	v12 =	vld [tilespmem:s14+$0xFFFFFF90]  }
0x10e: {  	v10 =	vand.u32 $0xFFFFFFF8, v10;
	v15 =	vand.u32 $0x7F, v14;
	v16 =	vshll.u32 v14, $0x3  }
0x10f: {  	v10 =	vshll.u32 v1, v10;
	v16 =	vand.u32 $0x400, v16;
	v17 =	vshll.u32 v13, $0x3  }
0x110: {  	[tilespmem:v11+s10+$0x0] =	vst.idx.add.s32.msk $0xffff, v10;
	v10 =	vor.u32 v16, v15;
	v11 =	vand.u32 $0x7F, v13;
	v15 =	vand.u32 $0x400, v17  }
0x111: {  	v21 =	vshll.u32 v19, $0x3;
	v16 =	vld [tilespmem:s16+$0x30];
	v10 =	vor.u32 v8, v10;
	v11 =	vor.u32 v15, v11  }
0x112: {  	v14 =	vshra.s32 v14, $0x5;
	v15 =	vld [tilespmem:s15+$0x0];
	v17 =	vshll.u32 v12, $0x3;
	v11 =	vor.u32 v7, v11  }
0x113: {  	v14 =	vand.u32 $0xFFFFFFF8, v14;
	v18 =	vand.u32 $0x7F, v12;
	v17 =	vand.u32 $0x400, v17  }
0x114: {  	v14 =	vshll.u32 v1, v14;
	v13 =	vshra.s32 v13, $0x5;
	v17 =	vor.u32 v17, v18  }
0x115: {  	v13 =	vand.u32 $0xFFFFFFF8, v13;
	v12 =	vshra.s32 v12, $0x5;
	v17 =	vor.u32 v7, v17  }
0x116: {  	v12 =	vand.u32 $0xFFFFFFF8, v12;
	v18 =	vshll.u32 v16, $0x3;
	[tilespmem:v10+s10+$0x0] =	vst.idx.add.s32.msk $0xffff, v14;
	v10 =	vshll.u32 v1, v13  }
0x117: {  	v13 =	vand.u32 $0x7F, v16;
	v14 =	vand.u32 $0x400, v18;
	v18 =	vshll.u32 v15, $0x3;
	[tilespmem:v11+s10+$0x0] =	vst.idx.add.s32.msk $0xffff, v10  }
0x118: {  	v11 =	vand.u32 $0x7F, v15;
	v10 =	vor.u32 v14, v13;
	v13 =	vand.u32 $0x400, v18;
	v14 =	vld [tilespmem:s14+$0x20]  }
0x119: {  	v12 =	vshll.u32 v1, v12;
	v15 =	vshra.s32 v15, $0x5;
	v18 =	vld [tilespmem:s16+$0xFFFFFFB0];
	v11 =	vor.u32 v13, v11  }
0x11a: {  	v10 =	vor.u32 v9, v10;
	v13 =	vand.u32 $0x400, v21;
	v11 =	vor.u32 v6, v11;
	[tilespmem:v17+s10+$0x0] =	vst.idx.add.s32.msk $0xffff, v12  }
0x11b: {  	v12 =	vshra.s32 v16, $0x5;
	v16 =	vshra.s32 v19, $0x5;
	v13 =	vor.u32 v13, v60;
	v17 =	vld [tilespmem:s14+$0xFFFFFFA0]  }
0x11c: {  	v12 =	vand.u32 $0xFFFFFFF8, v12;
	v16 =	vand.u32 $0xFFFFFFF8, v16;
	v19 =	vor.u32 v6, v13  }
0x11d: {  	v13 =	vand.u32 $0xFFFFFFF8, v15;
	v12 =	vshll.u32 v1, v12;
	v15 =	vshll.u32 v14, $0x3  }
0x11e: {  	v13 =	vshll.u32 v1, v13;
	v61 =	vand.u32 $0x7F, v14;
	v15 =	vand.u32 $0x400, v15  }
0x11f: {  	v16 =	vshll.u32 v1, v16;
	[tilespmem:v11+s10+$0x0] =	vst.idx.add.s32.msk $0xffff, v13;
	v11 =	vor.u32 v15, v61  }
0x120: {  	v15 =	vshll.u32 v18, $0x3;
	v13 =	vld [tilespmem:s15+$0x10];
	v62 =	vand.u32 $0x7F, v17;
	v11 =	vor.u32 v8, v11  }
0x121: {  	[tilespmem:v10+s10+$0x0] =	vst.idx.add.s32.msk $0xffff, v12;
	v63 =	vshll.u32 v17, $0x3;
	v17 =	vshra.s32 v17, $0x5;
	v22 =	vand.u32 $0x400, v15  }
0x122: {  	[tilespmem:v19+s10+$0x0] =	vst.idx.add.s32.msk $0xffff, v16;
	v21 =	vand.u32 $0x400, v63;
	v15 =	vand.u32 $0xFFFFFFF8, v17;
	v17 =	vshra.s32 v14, $0x5  }
0x123: {  	v16 =	vld [tilespmem:s15+$0xFFFFFF90];
	v10 =	vor.u32 v21, v62;
	v14 =	vshll.u32 v1, v15;
	v12 =	vand.u32 $0xFFFFFFF8, v17  }
0x124: {  	v15 =	vor.u32 v8, v10;
	v10 =	vshll.u32 v1, v12;
	v12 =	vshra.s32 v18, $0x5  }
0x125: {  	v17 =	vand.u32 $0x7F, v18;
	v12 =	vand.u32 $0xFFFFFFF8, v12;
	v18 =	vshll.u32 v13, $0x3;
	[tilespmem:v11+s10+$0x0] =	vst.idx.add.s32.msk $0xffff, v10  }
0x126: {  	v11 =	vor.u32 v22, v17;
	v17 =	vand.u32 $0x7F, v13;
	v18 =	vand.u32 $0x400, v18;
	v10 =	vld [tilespmem:s14+$0x30]  }
0x127: {  	s17 =	simm.s32 $0x3C0;
	s16 =	simm.s32 $0x4;
	v12 =	vshll.u32 v1, v12;
	v11 =	vor.u32 v9, v11;
	v17 =	vor.u32 v18, v17  }
.LBB2_6:
0x128: {  	v18 =	vld [tilespmem:s17+$0x0];
	s16 =	sadd.s32 $0x2, s16;
	v19 =	vand.u32 $0x7F, v16;
	v20 =	vshll.u32 v16, $0x3;
	v17 =	vor.u32 v7, v17  }
0x129: {  	v16 =	vshra.s32 v16, $0x5;
	v21 =	vld [tilespmem:s17+$0xFFFFFF80];
	p0 =	slt.u32 s16, $0xC6;
	v20 =	vand.u32 $0x400, v20  }
0x12a: {  	v13 =	vshra.s32 v13, $0x5;
	v16 =	vand.u32 $0xFFFFFFF8, v16;
	v19 =	vor.u32 v20, v19;
	[tilespmem:v15+s10+$0x0] =	vst.idx.add.s32.msk $0xffff, v14  }
0x12b: {  	v13 =	vand.u32 $0xFFFFFFF8, v13;
	v14 =	vor.u32 v7, v19;
	v19 =	vld [tilespmem:s14+$0xFFFFFFB0];
	v15 =	vshll.u32 v10, $0x3;
	s14 =	smov.u32 s15;
	s15 =	smov.u32 s17  }
0x12c: {  	v13 =	vshll.u32 v1, v13;
	v20 =	vand.u32 $0x7F, v10;
	v15 =	vand.u32 $0x400, v15;
	[tilespmem:v11+s10+$0x0] =	vst.idx.add.s32.msk $0xffff, v12  }
0x12d: {  	v12 =	vshll.u32 v1, v16;
	v11 =	vshll.u32 v18, $0x3;
	[tilespmem:v17+s10+$0x0] =	vst.idx.add.s32.msk $0xffff, v13;
	v13 =	vor.u32 v15, v20  }
0x12e: {  	v15 =	vand.u32 $0x7F, v18;
	v11 =	vand.u32 $0x400, v11;
	v16 =	vld [tilespmem:s14+$0x20];
	v13 =	vor.u32 v9, v13  }
0x12f: {  	v17 =	vand.u32 $0x7F, v21;
	v20 =	vshll.u32 v21, $0x3;
	v11 =	vor.u32 v11, v15  }
0x130: {  	v10 =	vshra.s32 v10, $0x5;
	v15 =	vand.u32 $0x400, v20;
	v11 =	vor.u32 v6, v11;
	[tilespmem:v14+s10+$0x0] =	vst.idx.add.s32.msk $0xffff, v12  }
0x131: {  	v10 =	vand.u32 $0xFFFFFFF8, v10;
	v12 =	vshra.s32 v21, $0x5;
	v14 =	vor.u32 v15, v17;
	v15 =	vld [tilespmem:s14+$0xFFFFFFA0]  }
0x132: {  	v10 =	vshll.u32 v1, v10;
	v17 =	vshra.s32 v18, $0x5;
	v12 =	vand.u32 $0xFFFFFFF8, v12  }
0x133: {  	v14 =	vor.u32 v6, v14;
	v17 =	vand.u32 $0xFFFFFFF8, v17;
	v18 =	vshll.u32 v16, $0x3;
	[tilespmem:v13+s10+$0x0] =	vst.idx.add.s32.msk $0xffff, v10  }
0x134: {  	v10 =	vshll.u32 v1, v17;
	v13 =	vand.u32 $0x7F, v16;
	v17 =	vand.u32 $0x400, v18  }
0x135: {  	v12 =	vshll.u32 v1, v12;
	[tilespmem:v11+s10+$0x0] =	vst.idx.add.s32.msk $0xffff, v10;
	v10 =	vor.u32 v17, v13;
	v11 =	vshll.u32 v19, $0x3  }
0x136: {  	v13 =	vld [tilespmem:s17+$0x10];
	v17 =	vand.u32 $0x7F, v15;
	v18 =	vshll.u32 v15, $0x3;
	v10 =	vor.u32 v8, v10  }
0x137: {  	v15 =	vshra.s32 v15, $0x5;
	v11 =	vand.u32 $0x400, v11;
	v18 =	vand.u32 $0x400, v18  }
0x138: {  	[tilespmem:v14+s10+$0x0] =	vst.idx.add.s32.msk $0xffff, v12;
	v12 =	vand.u32 $0xFFFFFFF8, v15;
	v15 =	vor.u32 v18, v17;
	v17 =	vshra.s32 v16, $0x5  }
.Ltmp2:
0x139: {  	v16 =	vld [tilespmem:s17+$0xFFFFFF90];
	v14 =	vshll.u32 v1, v12;
	v15 =	vor.u32 v8, v15;
	v12 =	vand.u32 $0xFFFFFFF8, v17;
	(pc) =	sbr.rel @p0 .LBB2_6-.Ltmp2, $4  }
0x13a: {  	v18 =	vand.u32 $0x7F, v19;
	v17 =	vshra.s32 v19, $0x5;
	v12 =	vshll.u32 v1, v12  }
0x13b: {  	v11 =	vor.u32 v11, v18;
	v19 =	vshll.u32 v13, $0x3;
	[tilespmem:v10+s10+$0x0] =	vst.idx.add.s32.msk $0xffff, v12;
	v12 =	vand.u32 $0xFFFFFFF8, v17  }
0x13c: {  	v11 =	vor.u32 v9, v11;
	v17 =	vand.u32 $0x7F, v13;
	v18 =	vand.u32 $0x400, v19;
	v10 =	vld [tilespmem:s14+$0x30]  }
0x13d: {  	s17 =	sadd.s32 $0x100, s17;
	v12 =	vshll.u32 v1, v12;
	v17 =	vor.u32 v18, v17  }
0x13e: {  	v18 =	vshll.u32 v16, $0x3  }
0x13f: {  	v19 =	vand.u32 $0x7F, v16;
	v17 =	vor.u32 v7, v17;
	v18 =	vand.u32 $0x400, v18  }
0x140: {  	v18 =	vor.u32 v18, v19  }
0x141: {  	v13 =	vshra.s32 v13, $0x5;
	v18 =	vor.u32 v7, v18  }
0x142: {  	v13 =	vand.u32 $0xFFFFFFF8, v13  }
0x143: {  	v45 =	vshra.s32 v16, $0x5;
	v13 =	vshll.u32 v1, v13  }
0x144: {  	v16 =	vand.u32 $0xFFFFFFF8, v45;
	[tilespmem:v17+s10+$0x0] =	vst.idx.add.s32.msk $0xffff, v13  }
0x145: {  	v46 =	vshll.u32 v1, v16;
	v47 =	vld [tilespmem:s15+$0x20]  }
0x146: {  	[tilespmem:v18+s10+$0x0] =	vst.idx.add.s32.msk $0xffff, v46  }
0x147: {  	v13 =	vld [tilespmem:s15+$0xFFFFFFA0];
	_ =	sdelay $0x2  }
0x148: {  	v48 =	vshll.u32 v47, $0x3  }
0x149: {  	v49 =	vand.u32 $0x7F, v47;
	v17 =	vand.u32 $0x400, v48  }
0x14a: {  	v17 =	vor.u32 v17, v49;
	v50 =	vshll.u32 v13, $0x3  }
0x14b: {  	v51 =	vand.u32 $0x7F, v13;
	v17 =	vor.u32 v8, v17;
	v18 =	vand.u32 $0x400, v50  }
0x14c: {  	v18 =	vor.u32 v18, v51  }
0x14d: {  	v16 =	vshra.s32 v47, $0x5;
	v18 =	vor.u32 v8, v18  }
0x14e: {  	[tilespmem:v15+s10+$0x0] =	vst.idx.add.s32.msk $0xffff, v14;
	v52 =	vand.u32 $0xFFFFFFF8, v16  }
0x14f: {  	v15 =	vld [tilespmem:s14+$0xFFFFFFB0];
	v14 =	vshll.u32 v1, v52;
	v13 =	vshra.s32 v13, $0x5  }
0x150: {  	v13 =	vand.u32 $0xFFFFFFF8, v13;
	[tilespmem:v17+s10+$0x0] =	vst.idx.add.s32.msk $0xffff, v14  }
0x151: {  	v13 =	vshll.u32 v1, v13;
	v14 =	vld [tilespmem:s15+$0x30]  }
0x152: {  	[tilespmem:v18+s10+$0x0] =	vst.idx.add.s32.msk $0xffff, v13  }
0x153: {  	v13 =	vld [tilespmem:s15+$0xFFFFFFB0]  }
0x154: {  	v53 =	vshll.u32 v10, $0x3;
	v54 =	vand.u32 $0x7F, v10;
	v55 =	vshll.u32 v15, $0x3  }
0x155: {  	v56 =	vand.u32 $0x7F, v15;
	v16 =	vand.u32 $0x400, v53;
	v18 =	vand.u32 $0x400, v55  }
0x156: {  	v16 =	vor.u32 v16, v54;
	v57 =	vor.u32 v18, v56  }
0x157: {  	v16 =	vor.u32 v9, v16;
	v17 =	vor.u32 v9, v57;
	v58 =	vshll.u32 v14, $0x3  }
0x158: {  	v59 =	vand.u32 $0x7F, v14;
	v18 =	vand.u32 $0x400, v58;
	v20 =	vshll.u32 v13, $0x3  }
0x159: {  	v18 =	vor.u32 v18, v59;
	v61 =	vand.u32 $0x7F, v13;
	v60 =	vand.u32 $0x400, v20  }
0x15a: {  	v10 =	vshra.s32 v10, $0x5;
	v18 =	vor.u32 v9, v18;
	v19 =	vor.u32 v60, v61  }
0x15b: {  	v10 =	vand.u32 $0xFFFFFFF8, v10;
	v15 =	vshra.s32 v15, $0x5;
	v19 =	vor.u32 v9, v19  }
0x15c: {  	[tilespmem:v11+s10+$0x0] =	vst.idx.add.s32.msk $0xffff, v12;
	v10 =	vshll.u32 v1, v10;
	v11 =	vand.u32 $0xFFFFFFF8, v15;
	v62 =	vshra.s32 v14, $0x5  }
0x15d: {  	[tilespmem:v16+s10+$0x0] =	vst.idx.add.s32.msk $0xffff, v10;
	v10 =	vshll.u32 v1, v11;
	v11 =	vand.u32 $0xFFFFFFF8, v62;
	v63 =	vshra.s32 v13, $0x5  }
0x15e: {  	[tilespmem:v17+s10+$0x0] =	vst.idx.add.s32.msk $0xffff, v10;
	v10 =	vshll.u32 v1, v11;
	v11 =	vand.u32 $0xFFFFFFF8, v63  }
0x15f: {  	[tilespmem:v18+s10+$0x0] =	vst.idx.add.s32.msk $0xffff, v10;
	v10 =	vshll.u32 v1, v11  }
0x160: {  	[tilespmem:v19+s10+$0x0] =	vst.idx.add.s32.msk $0xffff, v10  }
0x161: {  	s13 =	sadd.s32 $0x1, s13;
	_ =	swait.ge [sflag:s9], $0x4000  }
0x162: {  	p0 =	sne.s32 s13, s6;
	[sflag:s9] =	ssyncset.done $0x0  }
.Ltmp3:
0x163: {  	[sflag:s9] =	ssyncadd.s32 $0xFFFFC000;
	(pc) =	sbr.rel @p0 .LBB2_1-.Ltmp3, $4  }
0x164: {  	[hbm4b:s5+s2] =	stream.linear.scatter [tilespmem:s11], [sflag:$0x2], $0x4000, $0x38;
	[tilespmem:$0xE400] =	vst v63  }
0x165: {  	_ =	swait.ge [sflag:s12], $0x4000  }
0x166: {  	[sflag:s12] =	ssyncset.done $0x0  }
0x167: {  	[sflag:s12] =	ssyncadd.s32 $0xFFFFC000  }
0x168: {  	_ =	sfence.sel $0x180000  }
0x169: {  	[bflag:$0x0] =	sbarrier.arrive $0xFFFF  }
0x16a: {  	p0 =	sne.s32 s0, $0x0;
	_ =	strace $0x90000047  }
0x16b: {  	s0 =	sadd.s32 @!p0 $0x100000, s1;
	[bflag:$0x2] =	sbarrier.arrive $0xFFFF  }
0x16c: {  	[sflag:s0] =	ssyncadd.tile.s32 @!p0 $0x1;
	_ =	shalt  }
.Lfunc_end2:
_tile_overlayer_lowered:
.L_overlay_start_2:
0x16d: {  	(tag) =	ssettag $0x2  }
0x16e: {  	s0 =	rddreg [dreg:$0x0];
	s2 =	stileid.u32  }
0x16f: {  	s1 =	rddreg [dreg:$0x1];
	p0 =	sne.s32 s2, $0x0  }
0x170: {  	s3 =	rddreg [dreg:$0x2];
	[bflag:$0x3] =	sbarrier.arrive $0xFFFF;
	s2 =	simm.s32 @!p0 $0x1C02  }
0x171: {  	[timem:s3], [sflag:s2] =	dma.local @!p0 [hbm:s0], s1  }
0x172: {  	s0 =	simm.s32 @!p0 $0x2  }
0x173: {  	_ =	swait.ge @!p0 [sflag:s0], s1  }
0x174: {  	s1 =	ssub.s32 @!p0 $0x0, s1;
	[sflag:s0] =	ssyncset.done @!p0 $0x0  }
0x175: {  	[sflag:s0] =	ssyncadd.s32 @!p0 s1  }
0x176: {  	[bflag:$0x3] =	sbarrier.arrive $0xFFFF  }
0x177: {  	_ =	shalt  }

</sc_bundles>
